<compile_context>
chip_gen: v7x
topology: tpu7x:2x2x1
jax: 0.10.2.dev20260603
libtpu: 0.0.44.dev20260713+nightly
codegen_flags: <defaults>
</compile_context>

<pallas_src>
import functools

import numpy as np
import jax
import jax.numpy as jnp
from jax import lax
from jax.experimental import pallas as pl
from jax.experimental.pallas import tpu as pltpu
from jax.experimental.pallas import tpu_sc as plsc

SEQ = 4096
D = 1024
H = 16
DH = 64
HALF = DH // 2
VOCAB = 32000
BS = 16
NA = 128
DFF = 2048
QL = NA * BS
QLC = NA * (BS - 1)
KL = NA + QL
KB = 1 + BS
SP = 2 * NA + 8
VT = 1280
NVT = VOCAB // VT

_F32 = jnp.float32
_I32 = jnp.int32



def _np_mask_const():
    r = np.arange(BS * H)[:, None]
    c = np.arange(KB * H)[None, :]
    return (r % H == c % H).astype(np.float32)


def _np_upsample_const():
    r = np.arange(2 * NA)[:, None]
    b = np.arange(8)[None, :]
    return (r == BS * b).astype(np.float32)


def _np_asm_const():
    r = np.arange(NA)[:, None]
    c = np.arange(16)[None, :]
    return np.where(c < 8, r == BS * c, (c == 8) & (r % BS != 0)
                    ).astype(np.float32)


def _np_compact_const():
    r = np.arange(120)[:, None]
    c = np.arange(NA)[None, :]
    return (c == BS * (r // (BS - 1)) + 1 + r % (BS - 1)).astype(np.float32)


_MASK_HH = _np_mask_const()
_UPS = _np_upsample_const()
_ASM = _np_asm_const()
_CSEL = _np_compact_const()


def _rot_cols(w):
    w3 = w.reshape(D, H, 2, HALF)
    return jnp.stack([-w3[:, :, 1], w3[:, :, 0]], axis=2).reshape(D, D)



def _sc_gather_stage(anchors, keep_i, ids, lm, embed_table, hs):
    mesh = plsc.VectorSubcoreMesh(core_axis_name="c", subcore_axis_name="s")

    @functools.partial(
        pl.kernel,
        mesh=mesh,
        compiler_params=pltpu.CompilerParams(needs_layout_passes=False),
        out_type=[
            jax.ShapeDtypeStruct((2 * NA, D), _F32),
            jax.ShapeDtypeStruct((QL,), _I32),
            jax.ShapeDtypeStruct((QL,), _F32),
        ],
        scratch_types=[
            pltpu.VMEM((NA,), _I32),
            pltpu.VMEM((NA,), _I32),
            pltpu.VMEM((SEQ,), _I32),
            pltpu.VMEM((SEQ,), _F32),
            pltpu.VMEM((16,), _I32),
            pltpu.VMEM((16, D), _F32),
            pltpu.VMEM((4 * BS,), _I32),
            pltpu.VMEM((4 * BS,), _F32),
            pltpu.SemaphoreType.DMA,
            pltpu.SemaphoreType.DMA,
        ],
    )
    def sc_kernel(anchors_hbm, keep_hbm, ids_hbm, lm_hbm, embed_hbm, hs_hbm,
                  xsp_hbm, tgt_hbm, wlm_hbm,
                  anchors_v, keep_v, ids_v, lm_v, cidx,
                  rows_v, tvec, wvec, sem, sem2):
        wid = lax.axis_index("s") * 2 + lax.axis_index("c")
        lanes = lax.iota(_I32, 16)

        c1 = pltpu.async_copy(anchors_hbm, anchors_v, sem)
        c2 = pltpu.async_copy(keep_hbm, keep_v, sem)
        c3 = pltpu.async_copy(ids_hbm, ids_v, sem)
        c4 = pltpu.async_copy(lm_hbm, lm_v, sem)
        c1.wait()
        c2.wait()
        c3.wait()
        c4.wait()

        @pl.when(wid < 8)
        def _():
            a16 = anchors_v[pl.ds(16 * wid, 16)]
            cidx[...] = jnp.maximum(a16 - 1, 0)
            pltpu.async_copy(hs_hbm.at[cidx], rows_v, sem2).wait()
            pltpu.sync_copy(rows_v, xsp_hbm.at[pl.ds(16 * wid, 16)])

        @pl.when((wid >= 8) & (wid < 16))
        def _():
            w2 = wid - 8
            a16 = anchors_v[pl.ds(16 * w2, 16)]
            k16 = keep_v[pl.ds(16 * w2, 16)]
            tok = plsc.load_gather(ids_v, [jnp.clip(a16, 0, SEQ - 1)])
            cidx[...] = jnp.where(k16 > 0, tok, 0)
            pltpu.async_copy(embed_hbm.at[cidx], rows_v, sem2).wait()
            pltpu.sync_copy(rows_v, xsp_hbm.at[pl.ds(NA + 16 * w2, 16)])

        b0 = wid * 4
        for j in range(4):
            bb = jnp.full((16,), b0 + j, _I32)
            a_b = plsc.load_gather(anchors_v, [bb])
            lidx = jnp.clip(a_b + lanes, 0, SEQ - 1)
            tvec[pl.ds(16 * j, 16)] = plsc.load_gather(ids_v, [lidx])
            wvec[pl.ds(16 * j, 16)] = plsc.load_gather(lm_v, [lidx])
        t1 = pltpu.async_copy(tvec, tgt_hbm.at[pl.ds(64 * wid, 64)], sem)
        t2 = pltpu.async_copy(wvec, wlm_hbm.at[pl.ds(64 * wid, 64)], sem)
        t1.wait()
        t2.wait()

    return sc_kernel(anchors, keep_i, ids, lm, embed_table, hs)



def _rope_mul(a, b, pos):
    t, _ = a.shape
    col = lax.broadcasted_iota(_I32, (t, D), 1)
    freq = jnp.exp((col % HALF).astype(_F32) * _F32(-np.log(10000.0) / HALF))
    ang = pos * freq
    return a * jnp.cos(ang) + b * jnp.sin(ang)


def _special_proj_kernel(x_ref, pos_ref, wq_ref, wqr_ref, wk_ref, wkr_ref,
                         wv_ref, kx_ref, vx_ref, qx_ref, bqx_ref, bkx_ref):
    x = x_ref[...]
    ak = jnp.dot(x, wk_ref[...], preferred_element_type=_F32)
    bk = jnp.dot(x, wkr_ref[...], preferred_element_type=_F32)
    kx_ref[...] = _rope_mul(ak, bk, pos_ref[...])
    bkx_ref[...] = bk
    vx_ref[...] = jnp.dot(x, wv_ref[...], preferred_element_type=_F32)
    qx_ref[...] = jnp.dot(x, wq_ref[...], preferred_element_type=_F32)
    bqx_ref[...] = jnp.dot(x, wqr_ref[...], preferred_element_type=_F32)


def _assemble_kernel(qa_ref, q0_ref, bqa_ref, bq0_ref, ka_ref, k0_ref,
                     bka_ref, bk0_ref, va_ref, v0_ref, u_ref, pos_ref,
                     q_ref, k_ref, v_ref):
    u = u_ref[...]

    def asm(anc_ref, base_ref):
        a = jnp.concatenate([anc_ref[...], base_ref[...]], axis=0)
        return jnp.dot(u, a, preferred_element_type=_F32)

    col = lax.broadcasted_iota(_I32, (NA, D), 1)
    freq = jnp.exp((col % HALF).astype(_F32) * _F32(-np.log(10000.0) / HALF))
    ang = pos_ref[...] * freq
    c, s = jnp.cos(ang), jnp.sin(ang)
    q_ref[...] = asm(qa_ref, q0_ref) * c + asm(bqa_ref, bq0_ref) * s
    k_ref[...] = asm(ka_ref, k0_ref) * c + asm(bka_ref, bk0_ref) * s
    v_ref[...] = asm(va_ref, v0_ref)


_ATT_BLOCKS_PER_STEP = 16


def _attention_kernel(q_ref, kc_ref, kd_ref, vc_ref, vd_ref, m_ref, o_ref):
    m = m_ref[...] > _F32(0.5)
    scale = _F32(1.0 / np.sqrt(DH))
    for b in range(_ATT_BLOCKS_PER_STEP):
        qb = q_ref[256 * b:256 * (b + 1), :]
        kb = jnp.concatenate([kc_ref[16 * b:16 * (b + 1), :],
                              kd_ref[256 * b:256 * (b + 1), :]], axis=0)
        vb = jnp.concatenate([vc_ref[16 * b:16 * (b + 1), :],
                              vd_ref[256 * b:256 * (b + 1), :]], axis=0)
        s = lax.dot_general(qb, kb, (((1,), (1,)), ((), ())),
                            preferred_element_type=_F32) * scale
        mx = jnp.max(jnp.where(m, s, _F32(-1e30)), axis=1, keepdims=True)
        ex = jnp.where(m, jnp.exp(s - mx), _F32(0.0))
        pn = ex / jnp.sum(ex, axis=1, keepdims=True)
        o_ref[256 * b:256 * (b + 1), :] = jnp.dot(
            pn, vb, preferred_element_type=_F32)


def _mlp_kernel(ea_ref, e0_ref, u_ref, csel_ref, ctx_ref, wo_ref, w1_ref,
                w2_ref, hid_ref):
    m0 = (lax.broadcasted_iota(_I32, (NA, D), 0) % BS) == 0
    up = jnp.dot(u_ref[...], ea_ref[...], preferred_element_type=_F32)
    ne = jnp.where(m0, up, jnp.broadcast_to(e0_ref[0:1, :], (NA, D)))
    h0 = ne + jnp.dot(ctx_ref[...], wo_ref[...], preferred_element_type=_F32)
    h1 = jax.nn.gelu(jnp.dot(h0, w1_ref[...], preferred_element_type=_F32))
    hid = h0 + jnp.dot(h1, w2_ref[...], preferred_element_type=_F32)
    hid_ref[...] = jnp.dot(csel_ref[...], hid, preferred_element_type=_F32)


def _ce_kernel(hid_ref, wlm_ref, tgt_ref, w_ref,
               loss_ref, acc_ref,
               m_s, s_s, tl_s, bv_s, bi_s):
    j = pl.program_id(0)

    @pl.when(j == 0)
    def _():
        m_s[...] = jnp.full((QLC, 1), -1e30, _F32)
        s_s[...] = jnp.zeros((QLC, 1), _F32)
        tl_s[...] = jnp.zeros((QLC, 1), _F32)
        bv_s[...] = jnp.full((QLC, 1), -1e30, _F32)
        bi_s[...] = jnp.zeros((QLC, 1), _I32)

    logits = jnp.dot(hid_ref[...], wlm_ref[...], preferred_element_type=_F32)
    gcol = lax.broadcasted_iota(_I32, (QLC, VT), 1) + j * VT
    t = tgt_ref[...]

    tmax = jnp.max(logits, axis=1, keepdims=True)
    mnew = jnp.maximum(m_s[...], tmax)
    srow = jnp.sum(jnp.exp(logits - mnew), axis=1, keepdims=True)
    s_s[...] = s_s[...] * jnp.exp(m_s[...] - mnew) + srow
    m_s[...] = mnew

    tl_s[...] += jnp.sum(jnp.where(gcol == t, logits, _F32(0.0)),
                         axis=1, keepdims=True)

    targ = jnp.min(jnp.where(logits == tmax, gcol, _I32(2 ** 30)),
                   axis=1, keepdims=True)
    upd = tmax > bv_s[...]
    bi_s[...] = jnp.where(upd, targ, bi_s[...])
    bv_s[...] = jnp.maximum(bv_s[...], tmax)

    @pl.when(j == NVT - 1)
    def _():
        wv = w_ref[...]
        lpt = m_s[...] + jnp.log(s_s[...]) - tl_s[...]
        loss_ref[0, 0] = jnp.sum(lpt * wv) / (jnp.sum(wv) + _F32(1e-6))
        sel = wv > _F32(0.5)
        corr = jnp.sum(jnp.where(sel & (bi_s[...] == t), _F32(1.0), _F32(0.0)))
        cnt = jnp.sum(jnp.where(sel, _F32(1.0), _F32(0.0)))
        acc_ref[0, 0] = corr / jnp.maximum(cnt, _F32(1.0))



def _sample_anchors_fast(lm):
    max_anchor = SEQ - BS
    valid = lm[:max_anchor + 1] > 0.5
    valid_count = valid.sum()
    rv = jax.random.uniform(jax.random.key(42), (1, max_anchor + 1))[0]
    rv = jnp.where(valid, rv, 2.0)
    idxs = jnp.arange(max_anchor + 1)
    masked_idx = jnp.where(valid, idxs, SEQ + 1)
    _, sel = lax.top_k(-rv, NA)
    anchors = jnp.sort(masked_idx[sel])
    keep = jnp.arange(NA) < jnp.minimum(valid_count, NA)
    anchors = jnp.where(keep, anchors, 0).astype(_I32)
    return anchors, keep



def kernel(input_ids, hidden_states, loss_mask, embed_table,
           Wq, Wk, Wv, Wo, W1, W2, Wlm):
    ids = input_ids[0].astype(_I32)
    lm = loss_mask[0].astype(_F32)
    hs = hidden_states[0]

    anchors, keep = _sample_anchors_fast(lm)
    keep_i = keep.astype(_I32)

    labels = anchors[:, None] + jnp.arange(BS, dtype=_I32)[None, :]
    draft_pos = labels.reshape(QL, 1).astype(_F32)
    ctx_pos = jnp.maximum(anchors - 1, 0).astype(_F32)[:, None]

    xsp, tgt, wlm_g = _sc_gather_stage(anchors, keep_i, ids, lm,
                                       embed_table, hs)

    wq_r = _rot_cols(Wq)
    wk_r = _rot_cols(Wk)

    e0p = jnp.pad(embed_table[0:1], ((0, 7), (0, 0)))
    xall = jnp.concatenate([xsp, e0p], axis=0)
    pos_sp = jnp.concatenate([ctx_pos, jnp.zeros((SP - NA, 1), _F32)], axis=0)

    kx, vx, qx, bqx, bkx = pl.pallas_call(
        _special_proj_kernel,
        grid=(1,),
        in_specs=[
            pl.BlockSpec((SP, D), lambda i: (0, 0)),
            pl.BlockSpec((SP, 1), lambda i: (0, 0)),
            pl.BlockSpec((D, D), lambda i: (0, 0)),
            pl.BlockSpec((D, D), lambda i: (0, 0)),
            pl.BlockSpec((D, D), lambda i: (0, 0)),
            pl.BlockSpec((D, D), lambda i: (0, 0)),
            pl.BlockSpec((D, D), lambda i: (0, 0)),
        ],
        out_specs=[pl.BlockSpec((SP, D), lambda i: (0, 0))] * 5,
        out_shape=[jax.ShapeDtypeStruct((SP, D), _F32)] * 5,
    )(xall, pos_sp, Wq, wq_r, Wk, wk_r, Wv)

    asm_m = jnp.asarray(_ASM)
    ups = jnp.asarray(_UPS[:NA, :])
    anc = lambda i: (NA // 8 + i, 0)
    bas = lambda i: (SP // 8 - 1, 0)
    qd, kd, vd = pl.pallas_call(
        _assemble_kernel,
        grid=(BS,),
        in_specs=[
            pl.BlockSpec((8, D), anc), pl.BlockSpec((8, D), bas),
            pl.BlockSpec((8, D), anc), pl.BlockSpec((8, D), bas),
            pl.BlockSpec((8, D), anc), pl.BlockSpec((8, D), bas),
            pl.BlockSpec((8, D), anc), pl.BlockSpec((8, D), bas),
            pl.BlockSpec((8, D), anc), pl.BlockSpec((8, D), bas),
            pl.BlockSpec((NA, 16), lambda i: (0, 0)),
            pl.BlockSpec((NA, 1), lambda i: (i, 0)),
        ],
        out_specs=[pl.BlockSpec((NA, D), lambda i: (i, 0))] * 3,
        out_shape=[jax.ShapeDtypeStruct((QL, D), _F32)] * 3,
    )(qx, qx, bqx, bqx, kx, kx, bkx, bkx, vx, vx, asm_m, draft_pos)

    q_r = qd.reshape(QL * H, DH)
    kd_flat = kd.reshape(QL * H, DH)
    vd_flat = vd.reshape(QL * H, DH)
    kc_flat = kx.reshape(SP * H, DH)
    vc_flat = vx.reshape(SP * H, DH)

    mask_hh = jnp.asarray(_MASK_HH)

    GSTEP = _ATT_BLOCKS_PER_STEP
    ctx_r = pl.pallas_call(
        _attention_kernel,
        grid=(NA // GSTEP,),
        in_specs=[
            pl.BlockSpec((GSTEP * 256, DH), lambda i: (i, 0)),
            pl.BlockSpec((GSTEP * 16, DH), lambda i: (i, 0)),
            pl.BlockSpec((GSTEP * 256, DH), lambda i: (i, 0)),
            pl.BlockSpec((GSTEP * 16, DH), lambda i: (i, 0)),
            pl.BlockSpec((GSTEP * 256, DH), lambda i: (i, 0)),
            pl.BlockSpec((BS * H, KB * H), lambda i: (0, 0)),
        ],
        out_specs=pl.BlockSpec((GSTEP * 256, DH), lambda i: (i, 0)),
        out_shape=jax.ShapeDtypeStruct((QL * H, DH), _F32),
    )(q_r, kc_flat, kd_flat, vc_flat, vd_flat, mask_hh)
    ctx_p = ctx_r.reshape(QL, D)

    csel = jnp.asarray(_CSEL)
    hid = pl.pallas_call(
        _mlp_kernel,
        grid=(BS,),
        in_specs=[
            pl.BlockSpec((8, D), anc),
            pl.BlockSpec((8, D), bas),
            pl.BlockSpec((NA, 8), lambda i: (0, 0)),
            pl.BlockSpec((8 * (BS - 1), NA), lambda i: (0, 0)),
            pl.BlockSpec((NA, D), lambda i: (i, 0)),
            pl.BlockSpec((D, D), lambda i: (0, 0)),
            pl.BlockSpec((D, DFF), lambda i: (0, 0)),
            pl.BlockSpec((DFF, D), lambda i: (0, 0)),
        ],
        out_specs=pl.BlockSpec((8 * (BS - 1), D), lambda i: (i, 0)),
        out_shape=jax.ShapeDtypeStruct((QLC, D), _F32),
    )(xall, xall, ups, csel, ctx_p, Wo, W1, W2)

    valid_label = (labels < SEQ).astype(_F32)
    wgt = keep.astype(_F32)[:, None] * valid_label * wlm_g.reshape(NA, BS)
    wgt = wgt[:, 1:].reshape(QLC, 1)
    tgt2 = tgt.reshape(NA, BS)[:, 1:].reshape(QLC, 1)

    loss2, acc2 = pl.pallas_call(
        _ce_kernel,
        grid=(NVT,),
        in_specs=[
            pl.BlockSpec((QLC, D), lambda j: (0, 0)),
            pl.BlockSpec((D, VT), lambda j: (0, j)),
            pl.BlockSpec((QLC, 1), lambda j: (0, 0)),
            pl.BlockSpec((QLC, 1), lambda j: (0, 0)),
        ],
        out_specs=[
            pl.BlockSpec(memory_space=pltpu.SMEM),
            pl.BlockSpec(memory_space=pltpu.SMEM),
        ],
        out_shape=[
            jax.ShapeDtypeStruct((1, 1), _F32),
            jax.ShapeDtypeStruct((1, 1), _F32),
        ],
        scratch_shapes=[
            pltpu.VMEM((QLC, 1), _F32),
            pltpu.VMEM((QLC, 1), _F32),
            pltpu.VMEM((QLC, 1), _F32),
            pltpu.VMEM((QLC, 1), _F32),
            pltpu.VMEM((QLC, 1), _I32),
        ],
    )(hid, Wlm, tgt2, wgt)

    return loss2[0, 0], acc2[0, 0]

# --- scband reference (transcript-rebuilt; emitter-appended) ---
"""Pipeline reference for scband-online-flash-mtpmodel-17532056502648 (READ-ONLY COPY).

The authoritative reference and input builder live on the scoring server;
editing this copy changes nothing except your own understanding.
"""

import jax, jax.numpy as jnp
import numpy as np

B = 1
SEQ = 4096
D = 1024
H = 16
DH = D // H
VOCAB = 32000
BS = 16
NA = 128
CHS = 1
DFF = 2048
MASK_TOKEN_ID = 0


def setup_inputs(seed: int = 0):
    key = jax.random.key(seed)
    ks = jax.random.split(key, 12)
    input_ids = jax.random.randint(ks[0], (B, SEQ), 0, VOCAB)
    hidden_states = jax.random.normal(ks[1], (B, SEQ, D), dtype=jnp.float32)
    loss_mask = jnp.ones((B, SEQ), dtype=jnp.float32)
    s = 1.0 / np.sqrt(D)
    embed_table = jax.random.normal(ks[2], (VOCAB, D), dtype=jnp.float32) * 0.02
    Wq = jax.random.normal(ks[3], (D, D), dtype=jnp.float32) * s
    Wk = jax.random.normal(ks[4], (D, D), dtype=jnp.float32) * s
    Wv = jax.random.normal(ks[5], (D, D), dtype=jnp.float32) * s
    Wo = jax.random.normal(ks[6], (D, D), dtype=jnp.float32) * s
    W1 = jax.random.normal(ks[7], (D, DFF), dtype=jnp.float32) * s
    W2 = jax.random.normal(ks[8], (DFF, D), dtype=jnp.float32) * (1.0 / np.sqrt(DFF))
    Wlm = jax.random.normal(ks[9], (D, VOCAB), dtype=jnp.float32) * s
    return {"input_ids": input_ids, "hidden_states": hidden_states, "loss_mask": loss_mask,
            "embed_table": embed_table, "Wq": Wq, "Wk": Wk, "Wv": Wv, "Wo": Wo,
            "W1": W1, "W2": W2, "Wlm": Wlm}


def _rope(x, pos):
    half = x.shape[-1] // 2
    inv = 1.0 / (10000.0 ** (jnp.arange(half, dtype=jnp.float32) / half))
    ang = pos[..., None].astype(jnp.float32) * inv
    cos = jnp.cos(ang)[:, :, None, :]
    sin = jnp.sin(ang)[:, :, None, :]
    x1, x2 = x[..., :half], x[..., half:]
    return jnp.concatenate([x1 * cos - x2 * sin, x1 * sin + x2 * cos], axis=-1)


def _sample_anchors(loss_mask, key):
    bsz = loss_mask.shape[0]
    max_anchor = SEQ - BS
    valid = loss_mask[:, :max_anchor + 1] > 0.5
    valid_counts = valid.sum(axis=1)
    max_n = min(NA, valid.shape[1] - 1)
    indices = jnp.broadcast_to(jnp.arange(max_anchor + 1), (bsz, max_anchor + 1))
    masked_indices = jnp.where(valid, indices, SEQ + 1)
    rv = jax.random.uniform(key, (bsz, max_anchor + 1))
    rv = jnp.where(valid, rv, 2.0)
    sorted_idx = jnp.argsort(rv, axis=1)
    gathered = jnp.take_along_axis(masked_indices, sorted_idx, axis=1)
    anchors = jnp.sort(gathered[:, :max_n], axis=1)
    keep = jnp.arange(max_n)[None, :] < jnp.clip(valid_counts, None, max_n)[:, None]
    anchors = jnp.where(keep, anchors, 0)
    return anchors, keep


def _forward(input_ids, hidden_states, loss_mask, embed_table, Wq, Wk, Wv, Wo, W1, W2, Wlm, anchors, keep):
    bsz = input_ids.shape[0]
    n = anchors.shape[1]
    Q_LEN = n * BS
    KV_LEN = n * CHS + n * BS
    # _create_noise_embed
    noise_ids = jnp.full((bsz, Q_LEN), MASK_TOKEN_ID, dtype=jnp.int32)
    block_starts = jnp.arange(n) * BS
    valid_anchor = jnp.clip(anchors, 0, SEQ - 1)
    anchor_tokens = jnp.take_along_axis(input_ids, valid_anchor, axis=1)
    fill_tok = jnp.where(keep, anchor_tokens, MASK_TOKEN_ID).astype(jnp.int32)
    noise_ids = noise_ids.at[jnp.arange(bsz)[:, None], block_starts[None, :]].set(fill_tok)
    noise_embedding = jnp.take(embed_table, noise_ids, axis=0)
    # _create_position_ids
    draft_pos = (anchors[:, :, None] + jnp.arange(BS)[None, None, :]).reshape(bsz, Q_LEN)
    # stack_hidden_states_for_positions
    context_positions = jnp.clip(anchors - 1, 0, None)
    target_hidden = jnp.take_along_axis(hidden_states, context_positions[:, :, None], axis=1)
    # draft model: KV = [CHS_0..CHS_{N-1} | Block_0..Block_{N-1}]
    kv_in = jnp.concatenate([target_hidden, noise_embedding], axis=1)
    kv_pos = jnp.concatenate([context_positions, draft_pos], axis=1)
    q = _rope((noise_embedding @ Wq).reshape(bsz, Q_LEN, H, DH), draft_pos)
    k = _rope((kv_in @ Wk).reshape(bsz, KV_LEN, H, DH), kv_pos)
    v = (kv_in @ Wv).reshape(bsz, KV_LEN, H, DH)
    # flashmtp_mask_mod as dense boolean mask
    q_idx = jnp.arange(Q_LEN)
    kv_idx = jnp.arange(KV_LEN)
    q_block = q_idx // BS
    total_chs = n * CHS
    is_ctx = kv_idx < total_chs
    chs_block = kv_idx // CHS
    mask_ctx = is_ctx[None, :] & (chs_block[None, :] == q_block[:, None])
    is_draft = kv_idx >= total_chs
    kv_block = (kv_idx - total_chs) // BS
    mask_draft = is_draft[None, :] & (kv_block[None, :] == q_block[:, None])
    base_mask = mask_ctx | mask_draft
    valid_b = keep[:, q_block]
    mask = base_mask[None, :, :] & valid_b[:, :, None]
    scores = jnp.einsum('bqhd,bkhd->bhqk', q, k) / np.sqrt(DH)
    scores = jnp.where(mask[:, None, :, :], scores, -1e9)
    attn = jax.nn.softmax(scores, axis=-1)
    ctx = jnp.einsum('bhqk,bkhd->bqhd', attn, v).reshape(bsz, Q_LEN, D)
    hid = noise_embedding + ctx @ Wo
    hid = hid + jax.nn.gelu(hid @ W1) @ W2
    logits = hid @ Wlm
    # block-wise CE loss
    label_idx = anchors[:, :, None] + jnp.arange(BS)[None, None, :]
    valid_label = label_idx < SEQ
    safe_idx = jnp.clip(label_idx, None, SEQ - 1)
    target_ids = jnp.take_along_axis(jnp.broadcast_to(input_ids[:, None, :], (bsz, n, SEQ)), safe_idx, axis=2)
    weight = keep[:, :, None].astype(jnp.float32) * valid_label.astype(jnp.float32)
    weight = weight * (jnp.arange(BS) > 0).astype(jnp.float32)[None, None, :]
    orig_lm = jnp.take_along_axis(jnp.broadcast_to(loss_mask[:, None, :], (bsz, n, SEQ)), safe_idx, axis=2)
    weight = weight * orig_lm
    flat_logits = logits.reshape(-1, VOCAB)
    flat_targets = target_ids.reshape(-1)
    flat_w = weight.reshape(-1)
    logp = jax.nn.log_softmax(flat_logits, axis=-1)
    loss_per_tok = -jnp.take_along_axis(logp, flat_targets[:, None], axis=1)[:, 0]
    loss = (loss_per_tok * flat_w).sum() / (flat_w.sum() + 1e-6)
    pred = jnp.argmax(flat_logits, axis=-1)
    correct = (pred == flat_targets) & (flat_w > 0.5)
    acc = correct.sum().astype(jnp.float32) / jnp.maximum((flat_w > 0.5).sum(), 1).astype(jnp.float32)
    return loss, acc


def reference(input_ids, hidden_states, loss_mask, embed_table, Wq, Wk, Wv, Wo, W1, W2, Wlm):
    anchors, keep = _sample_anchors(loss_mask, jax.random.key(42))
    return _forward(input_ids, hidden_states, loss_mask, embed_table, Wq, Wk, Wv, Wo, W1, W2, Wlm, anchors, keep)

if __name__ == "__main__":
    import jax
    _d = setup_inputs()
    print(jax.jit(kernel)(*tuple(_d.values())))

</pallas_src>

<mosaic_0001>
#map = affine_map<(d0, d1) -> (0)>
#map1 = affine_map<(d0, d1) -> (0, 0)>
module attributes {stable_mosaic.version = 14 : i64} {
  func.func @sc_kernel(%arg0: i32, %arg1: i32, %arg2: memref<128xi32, #tpu.memory_space<hbm>>, %arg3: memref<128xi32, #tpu.memory_space<hbm>>, %arg4: memref<4096xi32, #tpu.memory_space<hbm>>, %arg5: memref<4096xf32, #tpu.memory_space<hbm>>, %arg6: memref<32000x1024xf32, #tpu.memory_space<hbm>>, %arg7: memref<4096x1024xf32, #tpu.memory_space<hbm>>, %arg8: memref<256x1024xf32, #tpu.memory_space<hbm>>, %arg9: memref<2048xi32, #tpu.memory_space<hbm>>, %arg10: memref<2048xf32, #tpu.memory_space<hbm>>, %arg11: memref<128xi32, #tpu.memory_space<vmem>>, %arg12: memref<128xi32, #tpu.memory_space<vmem>>, %arg13: memref<4096xi32, #tpu.memory_space<vmem>>, %arg14: memref<4096xf32, #tpu.memory_space<vmem>>, %arg15: memref<16xi32, #tpu.memory_space<vmem>>, %arg16: memref<16x1024xf32, #tpu.memory_space<vmem>>, %arg17: memref<64xi32, #tpu.memory_space<vmem>>, %arg18: memref<64xf32, #tpu.memory_space<vmem>>, %arg19: memref<!tpu.dma_semaphore, #tpu.memory_space<semaphore_mem>>, %arg20: memref<!tpu.dma_semaphore, #tpu.memory_space<semaphore_mem>>) attributes {dimension_semantics = [#tpu.dimension_semantics<core_parallel>, #tpu.dimension_semantics<subcore_parallel>], iteration_bounds = array<i64: 2, 16>, scalar_prefetch = 0 : i64, scratch_operands = 10 : i64, tpu.core_type = #tpu.core_type<sc_vector_subcore>, window_params = [{transform_indices = #map}, {transform_indices = #map}, {transform_indices = #map}, {transform_indices = #map}, {transform_indices = #map1}, {transform_indices = #map1}, {transform_indices = #map1}, {transform_indices = #map}, {transform_indices = #map}]} {
    %mul3A = arith.constant 2 : i32
    %mul3A_0 = arith.muli %arg1, %mul3A : i32
    %add3A = arith.addi %mul3A_0, %arg0 : i32
    %iota3A = tpu.iota {dimensions = array<i32: 0>} : vector<16xi32>
    tpu.enqueue_dma source(%arg2 : memref<128xi32, #tpu.memory_space<hbm>>) target(%arg11 : memref<128xi32, #tpu.memory_space<vmem>>) target_semaphore(%arg19 : memref<!tpu.dma_semaphore, #tpu.memory_space<semaphore_mem>>)
    tpu.enqueue_dma source(%arg3 : memref<128xi32, #tpu.memory_space<hbm>>) target(%arg12 : memref<128xi32, #tpu.memory_space<vmem>>) target_semaphore(%arg19 : memref<!tpu.dma_semaphore, #tpu.memory_space<semaphore_mem>>)
    tpu.enqueue_dma source(%arg4 : memref<4096xi32, #tpu.memory_space<hbm>>) target(%arg13 : memref<4096xi32, #tpu.memory_space<vmem>>) target_semaphore(%arg19 : memref<!tpu.dma_semaphore, #tpu.memory_space<semaphore_mem>>)
    tpu.enqueue_dma source(%arg5 : memref<4096xf32, #tpu.memory_space<hbm>>) target(%arg14 : memref<4096xf32, #tpu.memory_space<vmem>>) target_semaphore(%arg19 : memref<!tpu.dma_semaphore, #tpu.memory_space<semaphore_mem>>)
    tpu.wait_dma2 semaphore(%arg19 : memref<!tpu.dma_semaphore, #tpu.memory_space<semaphore_mem>>) src(%arg2 : memref<128xi32, #tpu.memory_space<hbm>>) dst(%arg11 : memref<128xi32, #tpu.memory_space<vmem>>)
    tpu.wait_dma2 semaphore(%arg19 : memref<!tpu.dma_semaphore, #tpu.memory_space<semaphore_mem>>) src(%arg3 : memref<128xi32, #tpu.memory_space<hbm>>) dst(%arg12 : memref<128xi32, #tpu.memory_space<vmem>>)
    tpu.wait_dma2 semaphore(%arg19 : memref<!tpu.dma_semaphore, #tpu.memory_space<semaphore_mem>>) src(%arg4 : memref<4096xi32, #tpu.memory_space<hbm>>) dst(%arg13 : memref<4096xi32, #tpu.memory_space<vmem>>)
    tpu.wait_dma2 semaphore(%arg19 : memref<!tpu.dma_semaphore, #tpu.memory_space<semaphore_mem>>) src(%arg5 : memref<4096xf32, #tpu.memory_space<hbm>>) dst(%arg14 : memref<4096xf32, #tpu.memory_space<vmem>>)
    %lt3A = arith.constant 8 : i32
    %lt3A_1 = arith.cmpi slt, %add3A, %lt3A : i32
    %convert_element_type3A = arith.extui %lt3A_1 : i1 to i32
    %cond3A = arith.constant 0 : i32
    %cond3A_2 = arith.cmpi ne, %convert_element_type3A, %cond3A : i32
    scf.if %cond3A_2 {
      %mul3A_83 = arith.constant 16 : i32
      %mul3A_84 = arith.muli %mul3A_83, %add3A : i32
      %get3A = arith.index_cast %mul3A_84 : i32 to index
      %get3A_85 = tpu.vector_load %arg11[%get3A] {strides = array<i32>} : memref<128xi32, #tpu.memory_space<vmem>>, vector<16xi32>,
      %sub3A = arith.constant 1 : i32
      %sub3A_86 = vector.broadcast %sub3A : i32 to vector<16xi32>
      %sub3A_87 = arith.subi %get3A_85, %sub3A_86 : vector<16xi32>
      %max3A_88 = arith.constant 0 : i32
      %max3A_89 = vector.broadcast %max3A_88 : i32 to vector<16xi32>
      %max3A_90 = arith.maxsi %sub3A_87, %max3A_89 : vector<16xi32>
      %swap3A_91 = arith.constant 0 : index
      %swap3A_92 = tpu.vector_load %arg15[%swap3A_91] {strides = array<i32>} : memref<16xi32, #tpu.memory_space<vmem>>, vector<16xi32>,
      tpu.vector_store %arg15[%swap3A_91], %max3A_90 {strides = array<i32>} : memref<16xi32, #tpu.memory_space<vmem>>, vector<16xi32>,
      %dma_start3A_93 = arith.constant 0 : i32
      %dma_start3A_94 = arith.constant 0 : i32
      %dma_start3A_95 = tpu.memref_slice %arg7[%dma_start3A_93, %dma_start3A_94] : memref<4096x1024xf32, #tpu.memory_space<hbm>> -> memref<4096x1024xf32, #tpu.memory_space<hbm>>
      tpu.enqueue_indirect_dma source(%dma_start3A_95 : memref<4096x1024xf32, #tpu.memory_space<hbm>>) target(%arg16 : memref<16x1024xf32, #tpu.memory_space<vmem>>) offsets(%arg15 : memref<16xi32, #tpu.memory_space<vmem>>) semaphore(%arg20 : memref<!tpu.dma_semaphore, #tpu.memory_space<semaphore_mem>>)
      %dma_wait3A_96 = arith.constant 0 : i32
      %dma_wait3A_97 = arith.constant 0 : i32
      %dma_wait3A_98 = tpu.memref_slice %arg7[%dma_wait3A_96, %dma_wait3A_97] : memref<4096x1024xf32, #tpu.memory_space<hbm>> -> memref<4096x1024xf32, #tpu.memory_space<hbm>>
      tpu.wait_indirect_dma semaphore(%arg20 : memref<!tpu.dma_semaphore, #tpu.memory_space<semaphore_mem>>) src(%dma_wait3A_98 : memref<4096x1024xf32, #tpu.memory_space<hbm>>) dst(%arg16 : memref<16x1024xf32, #tpu.memory_space<vmem>>)
      %mul3A_99 = arith.constant 16 : i32
      %mul3A_100 = arith.muli %mul3A_99, %add3A : i32
      "tpu.region"() ({
        %run_scoped3A = tpu.sem_alloc : memref<!tpu.dma_semaphore, #tpu.memory_space<semaphore_mem>>
        %dma_start3A_101 = arith.constant 0 : i32
        %dma_start3A_102 = tpu.memref_slice %arg8[%mul3A_100, %dma_start3A_101] : memref<256x1024xf32, #tpu.memory_space<hbm>> -> memref<16x1024xf32, #tpu.memory_space<hbm>>
        %dma_start3A_103 = arith.constant 0 : i32
        %dma_start3A_104 = tpu.memref_slice %arg8[%mul3A_100, %dma_start3A_103] : memref<256x1024xf32, #tpu.memory_space<hbm>> -> memref<16x1024xf32, #tpu.memory_space<hbm>>
        tpu.enqueue_dma source(%arg16 : memref<16x1024xf32, #tpu.memory_space<vmem>>) target(%dma_start3A_104 : memref<16x1024xf32, #tpu.memory_space<hbm>>) target_semaphore(%run_scoped3A : memref<!tpu.dma_semaphore, #tpu.memory_space<semaphore_mem>>)
        %dma_wait3A_105 = arith.constant 0 : i32
        %dma_wait3A_106 = tpu.memref_slice %arg8[%mul3A_100, %dma_wait3A_105] : memref<256x1024xf32, #tpu.memory_space<hbm>> -> memref<16x1024xf32, #tpu.memory_space<hbm>>
        %dma_wait3A_107 = arith.constant 0 : i32
        %dma_wait3A_108 = tpu.memref_slice %arg8[%mul3A_100, %dma_wait3A_107] : memref<256x1024xf32, #tpu.memory_space<hbm>> -> memref<16x1024xf32, #tpu.memory_space<hbm>>
        tpu.wait_dma2 semaphore(%run_scoped3A : memref<!tpu.dma_semaphore, #tpu.memory_space<semaphore_mem>>) src(%arg16 : memref<16x1024xf32, #tpu.memory_space<vmem>>) dst(%dma_wait3A_108 : memref<16x1024xf32, #tpu.memory_space<hbm>>)
        tpu.yield
      }) : () -> ()
    } else {
    }
    %ge3A = arith.constant 8 : i32
    %ge3A_3 = arith.cmpi sge, %add3A, %ge3A : i32
    %lt3A_4 = arith.constant 16 : i32
    %lt3A_5 = arith.cmpi slt, %add3A, %lt3A_4 : i32
    %and3A = arith.andi %ge3A_3, %lt3A_5 : i1
    %convert_element_type3A_6 = arith.extui %and3A : i1 to i32
    %cond3A_7 = arith.constant 0 : i32
    %cond3A_8 = arith.cmpi ne, %convert_element_type3A_6, %cond3A_7 : i32
    scf.if %cond3A_8 {
      %sub3A = arith.constant 8 : i32
      %sub3A_83 = arith.subi %add3A, %sub3A : i32
      %mul3A_84 = arith.constant 16 : i32
      %mul3A_85 = arith.muli %mul3A_84, %sub3A_83 : i32
      %get3A = arith.index_cast %mul3A_85 : i32 to index
      %get3A_86 = tpu.vector_load %arg11[%get3A] {strides = array<i32>} : memref<128xi32, #tpu.memory_space<vmem>>, vector<16xi32>,
      %mul3A_87 = arith.constant 16 : i32
      %mul3A_88 = arith.muli %mul3A_87, %sub3A_83 : i32
      %get3A_89 = arith.index_cast %mul3A_88 : i32 to index
      %get3A_90 = tpu.vector_load %arg12[%get3A_89] {strides = array<i32>} : memref<128xi32, #tpu.memory_space<vmem>>, vector<16xi32>,
      %jit3A_91 = arith.constant 0 : i32
      %jit3A_92 = arith.constant 4095 : i32
      %max3A_93 = vector.broadcast %jit3A_91 : i32 to vector<16xi32>
      %max3A_94 = arith.maxsi %max3A_93, %get3A_86 : vector<16xi32>
      %min3A_95 = vector.broadcast %jit3A_92 : i32 to vector<16xi32>
      %min3A_96 = arith.minsi %min3A_95, %max3A_94 : vector<16xi32>
      %gather3A_97 = tpu.vector_load_idx %arg13[%min3A_96] : memref<4096xi32, #tpu.memory_space<vmem>>[vector<16xi32>], vector<16xi32>,
      %gt3A = arith.constant 0 : i32
      %gt3A_98 = vector.broadcast %gt3A : i32 to vector<16xi32>
      %gt3A_99 = arith.cmpi sgt, %get3A_90, %gt3A_98 : vector<16xi32>
      %jit3A_100 = arith.constant 0 : i32
      %broadcast_in_dim3A_101 = vector.broadcast %jit3A_100 : i32 to vector<16xi32>
      %select_n3A = arith.select %gt3A_99, %gather3A_97, %broadcast_in_dim3A_101 : vector<16xi1>, vector<16xi32>
      %swap3A_102 = arith.constant 0 : index
      %swap3A_103 = tpu.vector_load %arg15[%swap3A_102] {strides = array<i32>} : memref<16xi32, #tpu.memory_space<vmem>>, vector<16xi32>,
      tpu.vector_store %arg15[%swap3A_102], %select_n3A {strides = array<i32>} : memref<16xi32, #tpu.memory_space<vmem>>, vector<16xi32>,
      %dma_start3A_104 = arith.constant 0 : i32
      %dma_start3A_105 = arith.constant 0 : i32
      %dma_start3A_106 = tpu.memref_slice %arg6[%dma_start3A_104, %dma_start3A_105] : memref<32000x1024xf32, #tpu.memory_space<hbm>> -> memref<32000x1024xf32, #tpu.memory_space<hbm>>
      tpu.enqueue_indirect_dma source(%dma_start3A_106 : memref<32000x1024xf32, #tpu.memory_space<hbm>>) target(%arg16 : memref<16x1024xf32, #tpu.memory_space<vmem>>) offsets(%arg15 : memref<16xi32, #tpu.memory_space<vmem>>) semaphore(%arg20 : memref<!tpu.dma_semaphore, #tpu.memory_space<semaphore_mem>>)
      %dma_wait3A_107 = arith.constant 0 : i32
      %dma_wait3A_108 = arith.constant 0 : i32
      %dma_wait3A_109 = tpu.memref_slice %arg6[%dma_wait3A_107, %dma_wait3A_108] : memref<32000x1024xf32, #tpu.memory_space<hbm>> -> memref<32000x1024xf32, #tpu.memory_space<hbm>>
      tpu.wait_indirect_dma semaphore(%arg20 : memref<!tpu.dma_semaphore, #tpu.memory_space<semaphore_mem>>) src(%dma_wait3A_109 : memref<32000x1024xf32, #tpu.memory_space<hbm>>) dst(%arg16 : memref<16x1024xf32, #tpu.memory_space<vmem>>)
      %mul3A_110 = arith.constant 16 : i32
      %mul3A_111 = arith.muli %mul3A_110, %sub3A_83 : i32
      %add3A_112 = arith.constant 128 : i32
      %add3A_113 = arith.addi %add3A_112, %mul3A_111 : i32
      "tpu.region"() ({
        %run_scoped3A = tpu.sem_alloc : memref<!tpu.dma_semaphore, #tpu.memory_space<semaphore_mem>>
        %dma_start3A_114 = arith.constant 0 : i32
        %dma_start3A_115 = tpu.memref_slice %arg8[%add3A_113, %dma_start3A_114] : memref<256x1024xf32, #tpu.memory_space<hbm>> -> memref<16x1024xf32, #tpu.memory_space<hbm>>
        %dma_start3A_116 = arith.constant 0 : i32
        %dma_start3A_117 = tpu.memref_slice %arg8[%add3A_113, %dma_start3A_116] : memref<256x1024xf32, #tpu.memory_space<hbm>> -> memref<16x1024xf32, #tpu.memory_space<hbm>>
        tpu.enqueue_dma source(%arg16 : memref<16x1024xf32, #tpu.memory_space<vmem>>) target(%dma_start3A_117 : memref<16x1024xf32, #tpu.memory_space<hbm>>) target_semaphore(%run_scoped3A : memref<!tpu.dma_semaphore, #tpu.memory_space<semaphore_mem>>)
        %dma_wait3A_118 = arith.constant 0 : i32
        %dma_wait3A_119 = tpu.memref_slice %arg8[%add3A_113, %dma_wait3A_118] : memref<256x1024xf32, #tpu.memory_space<hbm>> -> memref<16x1024xf32, #tpu.memory_space<hbm>>
        %dma_wait3A_120 = arith.constant 0 : i32
        %dma_wait3A_121 = tpu.memref_slice %arg8[%add3A_113, %dma_wait3A_120] : memref<256x1024xf32, #tpu.memory_space<hbm>> -> memref<16x1024xf32, #tpu.memory_space<hbm>>
        tpu.wait_dma2 semaphore(%run_scoped3A : memref<!tpu.dma_semaphore, #tpu.memory_space<semaphore_mem>>) src(%arg16 : memref<16x1024xf32, #tpu.memory_space<vmem>>) dst(%dma_wait3A_121 : memref<16x1024xf32, #tpu.memory_space<hbm>>)
        tpu.yield
      }) : () -> ()
    } else {
    }
    %mul3A_9 = arith.constant 4 : i32
    %mul3A_10 = arith.muli %add3A, %mul3A_9 : i32
    %add3A_11 = arith.constant 0 : i32
    %add3A_12 = arith.addi %mul3A_10, %add3A_11 : i32
    %broadcast_in_dim3A = vector.broadcast %add3A_12 : i32 to vector<16xi32>
    %gather3A = tpu.vector_load_idx %arg11[%broadcast_in_dim3A] : memref<128xi32, #tpu.memory_space<vmem>>[vector<16xi32>], vector<16xi32>,
    %add3A_13 = arith.addi %gather3A, %iota3A : vector<16xi32>
    %jit3A = arith.constant 0 : i32
    %jit3A_14 = arith.constant 4095 : i32
    %max3A = vector.broadcast %jit3A : i32 to vector<16xi32>
    %max3A_15 = arith.maxsi %max3A, %add3A_13 : vector<16xi32>
    %min3A = vector.broadcast %jit3A_14 : i32 to vector<16xi32>
    %min3A_16 = arith.minsi %min3A, %max3A_15 : vector<16xi32>
    %gather3A_17 = tpu.vector_load_idx %arg13[%min3A_16] : memref<4096xi32, #tpu.memory_space<vmem>>[vector<16xi32>], vector<16xi32>,
    %swap3A = arith.constant 0 : index
    %swap3A_18 = tpu.vector_load %arg17[%swap3A] {strides = array<i32>} : memref<64xi32, #tpu.memory_space<vmem>>, vector<16xi32>,
    tpu.vector_store %arg17[%swap3A], %gather3A_17 {strides = array<i32>} : memref<64xi32, #tpu.memory_space<vmem>>, vector<16xi32>,
    %gather3A_19 = tpu.vector_load_idx %arg14[%min3A_16] : memref<4096xf32, #tpu.memory_space<vmem>>[vector<16xi32>], vector<16xf32>,
    %swap3A_20 = arith.constant 0 : index
    %swap3A_21 = tpu.vector_load %arg18[%swap3A_20] {strides = array<i32>} : memref<64xf32, #tpu.memory_space<vmem>>, vector<16xf32>,
    tpu.vector_store %arg18[%swap3A_20], %gather3A_19 {strides = array<i32>} : memref<64xf32, #tpu.memory_space<vmem>>, vector<16xf32>,
    %add3A_22 = arith.constant 1 : i32
    %add3A_23 = arith.addi %mul3A_10, %add3A_22 : i32
    %broadcast_in_dim3A_24 = vector.broadcast %add3A_23 : i32 to vector<16xi32>
    %gather3A_25 = tpu.vector_load_idx %arg11[%broadcast_in_dim3A_24] : memref<128xi32, #tpu.memory_space<vmem>>[vector<16xi32>], vector<16xi32>,
    %add3A_26 = arith.addi %gather3A_25, %iota3A : vector<16xi32>
    %jit3A_27 = arith.constant 0 : i32
    %jit3A_28 = arith.constant 4095 : i32
    %max3A_29 = vector.broadcast %jit3A_27 : i32 to vector<16xi32>
    %max3A_30 = arith.maxsi %max3A_29, %add3A_26 : vector<16xi32>
    %min3A_31 = vector.broadcast %jit3A_28 : i32 to vector<16xi32>
    %min3A_32 = arith.minsi %min3A_31, %max3A_30 : vector<16xi32>
    %gather3A_33 = tpu.vector_load_idx %arg13[%min3A_32] : memref<4096xi32, #tpu.memory_space<vmem>>[vector<16xi32>], vector<16xi32>,
    %swap3A_34 = arith.constant 16 : index
    %swap3A_35 = tpu.vector_load %arg17[%swap3A_34] {strides = array<i32>} : memref<64xi32, #tpu.memory_space<vmem>>, vector<16xi32>,
    tpu.vector_store %arg17[%swap3A_34], %gather3A_33 {strides = array<i32>} : memref<64xi32, #tpu.memory_space<vmem>>, vector<16xi32>,
    %gather3A_36 = tpu.vector_load_idx %arg14[%min3A_32] : memref<4096xf32, #tpu.memory_space<vmem>>[vector<16xi32>], vector<16xf32>,
    %swap3A_37 = arith.constant 16 : index
    %swap3A_38 = tpu.vector_load %arg18[%swap3A_37] {strides = array<i32>} : memref<64xf32, #tpu.memory_space<vmem>>, vector<16xf32>,
    tpu.vector_store %arg18[%swap3A_37], %gather3A_36 {strides = array<i32>} : memref<64xf32, #tpu.memory_space<vmem>>, vector<16xf32>,
    %add3A_39 = arith.constant 2 : i32
    %add3A_40 = arith.addi %mul3A_10, %add3A_39 : i32
    %broadcast_in_dim3A_41 = vector.broadcast %add3A_40 : i32 to vector<16xi32>
    %gather3A_42 = tpu.vector_load_idx %arg11[%broadcast_in_dim3A_41] : memref<128xi32, #tpu.memory_space<vmem>>[vector<16xi32>], vector<16xi32>,
    %add3A_43 = arith.addi %gather3A_42, %iota3A : vector<16xi32>
    %jit3A_44 = arith.constant 0 : i32
    %jit3A_45 = arith.constant 4095 : i32
    %max3A_46 = vector.broadcast %jit3A_44 : i32 to vector<16xi32>
    %max3A_47 = arith.maxsi %max3A_46, %add3A_43 : vector<16xi32>
    %min3A_48 = vector.broadcast %jit3A_45 : i32 to vector<16xi32>
    %min3A_49 = arith.minsi %min3A_48, %max3A_47 : vector<16xi32>
    %gather3A_50 = tpu.vector_load_idx %arg13[%min3A_49] : memref<4096xi32, #tpu.memory_space<vmem>>[vector<16xi32>], vector<16xi32>,
    %swap3A_51 = arith.constant 32 : index
    %swap3A_52 = tpu.vector_load %arg17[%swap3A_51] {strides = array<i32>} : memref<64xi32, #tpu.memory_space<vmem>>, vector<16xi32>,
    tpu.vector_store %arg17[%swap3A_51], %gather3A_50 {strides = array<i32>} : memref<64xi32, #tpu.memory_space<vmem>>, vector<16xi32>,
    %gather3A_53 = tpu.vector_load_idx %arg14[%min3A_49] : memref<4096xf32, #tpu.memory_space<vmem>>[vector<16xi32>], vector<16xf32>,
    %swap3A_54 = arith.constant 32 : index
    %swap3A_55 = tpu.vector_load %arg18[%swap3A_54] {strides = array<i32>} : memref<64xf32, #tpu.memory_space<vmem>>, vector<16xf32>,
    tpu.vector_store %arg18[%swap3A_54], %gather3A_53 {strides = array<i32>} : memref<64xf32, #tpu.memory_space<vmem>>, vector<16xf32>,
    %add3A_56 = arith.constant 3 : i32
    %add3A_57 = arith.addi %mul3A_10, %add3A_56 : i32
    %broadcast_in_dim3A_58 = vector.broadcast %add3A_57 : i32 to vector<16xi32>
    %gather3A_59 = tpu.vector_load_idx %arg11[%broadcast_in_dim3A_58] : memref<128xi32, #tpu.memory_space<vmem>>[vector<16xi32>], vector<16xi32>,
    %add3A_60 = arith.addi %gather3A_59, %iota3A : vector<16xi32>
    %jit3A_61 = arith.constant 0 : i32
    %jit3A_62 = arith.constant 4095 : i32
    %max3A_63 = vector.broadcast %jit3A_61 : i32 to vector<16xi32>
    %max3A_64 = arith.maxsi %max3A_63, %add3A_60 : vector<16xi32>
    %min3A_65 = vector.broadcast %jit3A_62 : i32 to vector<16xi32>
    %min3A_66 = arith.minsi %min3A_65, %max3A_64 : vector<16xi32>
    %gather3A_67 = tpu.vector_load_idx %arg13[%min3A_66] : memref<4096xi32, #tpu.memory_space<vmem>>[vector<16xi32>], vector<16xi32>,
    %swap3A_68 = arith.constant 48 : index
    %swap3A_69 = tpu.vector_load %arg17[%swap3A_68] {strides = array<i32>} : memref<64xi32, #tpu.memory_space<vmem>>, vector<16xi32>,
    tpu.vector_store %arg17[%swap3A_68], %gather3A_67 {strides = array<i32>} : memref<64xi32, #tpu.memory_space<vmem>>, vector<16xi32>,
    %gather3A_70 = tpu.vector_load_idx %arg14[%min3A_66] : memref<4096xf32, #tpu.memory_space<vmem>>[vector<16xi32>], vector<16xf32>,
    %swap3A_71 = arith.constant 48 : index
    %swap3A_72 = tpu.vector_load %arg18[%swap3A_71] {strides = array<i32>} : memref<64xf32, #tpu.memory_space<vmem>>, vector<16xf32>,
    tpu.vector_store %arg18[%swap3A_71], %gather3A_70 {strides = array<i32>} : memref<64xf32, #tpu.memory_space<vmem>>, vector<16xf32>,
    %mul3A_73 = arith.constant 64 : i32
    %mul3A_74 = arith.muli %mul3A_73, %add3A : i32
    %dma_start3A = tpu.memref_slice %arg9[%mul3A_74] : memref<2048xi32, #tpu.memory_space<hbm>> -> memref<64xi32, #tpu.memory_space<hbm>>
    %dma_start3A_75 = tpu.memref_slice %arg9[%mul3A_74] : memref<2048xi32, #tpu.memory_space<hbm>> -> memref<64xi32, #tpu.memory_space<hbm>>
    tpu.enqueue_dma source(%arg17 : memref<64xi32, #tpu.memory_space<vmem>>) target(%dma_start3A_75 : memref<64xi32, #tpu.memory_space<hbm>>) target_semaphore(%arg19 : memref<!tpu.dma_semaphore, #tpu.memory_space<semaphore_mem>>)
    %mul3A_76 = arith.constant 64 : i32
    %mul3A_77 = arith.muli %mul3A_76, %add3A : i32
    %dma_start3A_78 = tpu.memref_slice %arg10[%mul3A_77] : memref<2048xf32, #tpu.memory_space<hbm>> -> memref<64xf32, #tpu.memory_space<hbm>>
    %dma_start3A_79 = tpu.memref_slice %arg10[%mul3A_77] : memref<2048xf32, #tpu.memory_space<hbm>> -> memref<64xf32, #tpu.memory_space<hbm>>
    tpu.enqueue_dma source(%arg18 : memref<64xf32, #tpu.memory_space<vmem>>) target(%dma_start3A_79 : memref<64xf32, #tpu.memory_space<hbm>>) target_semaphore(%arg19 : memref<!tpu.dma_semaphore, #tpu.memory_space<semaphore_mem>>)
    %dma_wait3A = tpu.memref_slice %arg9[%mul3A_74] : memref<2048xi32, #tpu.memory_space<hbm>> -> memref<64xi32, #tpu.memory_space<hbm>>
    %dma_wait3A_80 = tpu.memref_slice %arg9[%mul3A_74] : memref<2048xi32, #tpu.memory_space<hbm>> -> memref<64xi32, #tpu.memory_space<hbm>>
    tpu.wait_dma2 semaphore(%arg19 : memref<!tpu.dma_semaphore, #tpu.memory_space<semaphore_mem>>) src(%arg17 : memref<64xi32, #tpu.memory_space<vmem>>) dst(%dma_wait3A_80 : memref<64xi32, #tpu.memory_space<hbm>>)
    %dma_wait3A_81 = tpu.memref_slice %arg10[%mul3A_77] : memref<2048xf32, #tpu.memory_space<hbm>> -> memref<64xf32, #tpu.memory_space<hbm>>
    %dma_wait3A_82 = tpu.memref_slice %arg10[%mul3A_77] : memref<2048xf32, #tpu.memory_space<hbm>> -> memref<64xf32, #tpu.memory_space<hbm>>
    tpu.wait_dma2 semaphore(%arg19 : memref<!tpu.dma_semaphore, #tpu.memory_space<semaphore_mem>>) src(%arg18 : memref<64xf32, #tpu.memory_space<vmem>>) dst(%dma_wait3A_82 : memref<64xf32, #tpu.memory_space<hbm>>)
    return
  }
}

module attributes {stable_mosaic.version = 14 : i64} {
  func.func @_special_proj_kernel(%arg0: i32, %arg1: memref<264x1024xf32, #tpu.memory_space<vmem>>, %arg2: memref<264x1xf32, #tpu.memory_space<vmem>>, %arg3: memref<1024x1024xf32, #tpu.memory_space<vmem>>, %arg4: memref<1024x1024xf32, #tpu.memory_space<vmem>>, %arg5: memref<1024x1024xf32, #tpu.memory_space<vmem>>, %arg6: memref<1024x1024xf32, #tpu.memory_space<vmem>>, %arg7: memref<1024x1024xf32, #tpu.memory_space<vmem>>, %arg8: memref<264x1024xf32, #tpu.memory_space<vmem>>, %arg9: memref<264x1024xf32, #tpu.memory_space<vmem>>, %arg10: memref<264x1024xf32, #tpu.memory_space<vmem>>, %arg11: memref<264x1024xf32, #tpu.memory_space<vmem>>, %arg12: memref<264x1024xf32, #tpu.memory_space<vmem>>) attributes {dimension_semantics = [#tpu.dimension_semantics<arbitrary>], iteration_bounds = array<i64: 1>, scalar_prefetch = 0 : i64, scratch_operands = 0 : i64, tpu.core_type = #tpu.core_type<tc>, window_params = [{pipeline_mode = #tpu.pipeline_mode<synchronous>, transform_indices = @transform_0, window_bounds = array<i64: 264, 1024>}, {pipeline_mode = #tpu.pipeline_mode<synchronous>, transform_indices = @transform_1, window_bounds = array<i64: 264, 1>}, {pipeline_mode = #tpu.pipeline_mode<synchronous>, transform_indices = @transform_2, window_bounds = array<i64: 1024, 1024>}, {pipeline_mode = #tpu.pipeline_mode<synchronous>, transform_indices = @transform_3, window_bounds = array<i64: 1024, 1024>}, {pipeline_mode = #tpu.pipeline_mode<synchronous>, transform_indices = @transform_4, window_bounds = array<i64: 1024, 1024>}, {pipeline_mode = #tpu.pipeline_mode<synchronous>, transform_indices = @transform_5, window_bounds = array<i64: 1024, 1024>}, {pipeline_mode = #tpu.pipeline_mode<synchronous>, transform_indices = @transform_6, window_bounds = array<i64: 1024, 1024>}, {pipeline_mode = #tpu.pipeline_mode<synchronous>, transform_indices = @transform_7, window_bounds = array<i64: 264, 1024>}, {pipeline_mode = #tpu.pipeline_mode<synchronous>, transform_indices = @transform_8, window_bounds = array<i64: 264, 1024>}, {pipeline_mode = #tpu.pipeline_mode<synchronous>, transform_indices = @transform_9, window_bounds = array<i64: 264, 1024>}, {pipeline_mode = #tpu.pipeline_mode<synchronous>, transform_indices = @transform_10, window_bounds = array<i64: 264, 1024>}, {pipeline_mode = #tpu.pipeline_mode<synchronous>, transform_indices = @transform_11, window_bounds = array<i64: 264, 1024>}]} {
    %get3A = arith.constant 0 : index
    %get3A_0 = arith.constant 0 : index
    %get3A_1 = vector.load %arg1[%get3A, %get3A_0] : memref<264x1024xf32, #tpu.memory_space<vmem>>, vector<264x1024xf32>
    %get3A_2 = arith.constant 0 : index
    %get3A_3 = arith.constant 0 : index
    %get3A_4 = vector.load %arg5[%get3A_2, %get3A_3] : memref<1024x1024xf32, #tpu.memory_space<vmem>>, vector<1024x1024xf32>
    %dot_general3A = arith.constant dense<0.000000e+00> : vector<264x1024xf32>
    %dot_general3A_5 = tpu.matmul %get3A_1, %get3A_4, %dot_general3A {dimension_numbers = #tpu.dot_dimension_numbers<[1], [0], [0], [1], [0, 0, 1, 1], [], []>, transpose_lhs_hint = false} : vector<264x1024xf32>, vector<1024x1024xf32>, vector<264x1024xf32> -> vector<264x1024xf32>
    %get3A_6 = arith.constant 0 : index
    %get3A_7 = arith.constant 0 : index
    %get3A_8 = vector.load %arg6[%get3A_6, %get3A_7] : memref<1024x1024xf32, #tpu.memory_space<vmem>>, vector<1024x1024xf32>
    %dot_general3A_9 = arith.constant dense<0.000000e+00> : vector<264x1024xf32>
    %dot_general3A_10 = tpu.matmul %get3A_1, %get3A_8, %dot_general3A_9 {dimension_numbers = #tpu.dot_dimension_numbers<[1], [0], [0], [1], [0, 0, 1, 1], [], []>, transpose_lhs_hint = false} : vector<264x1024xf32>, vector<1024x1024xf32>, vector<264x1024xf32> -> vector<264x1024xf32>
    %get3A_11 = arith.constant 0 : index
    %get3A_12 = arith.constant 0 : index
    %get3A_13 = vector.load %arg2[%get3A_11, %get3A_12] : memref<264x1xf32, #tpu.memory_space<vmem>>, vector<264x1xf32>
    %iota3A = tpu.iota {dimensions = array<i32: 1>} : vector<264x1024xi32>
    %jit3A = arith.constant 32 : i32
    %eq3A = arith.constant 0 : i32
    %eq3A_14 = arith.cmpi eq, %jit3A, %eq3A : i32
    %jit3A_15 = arith.constant 1 : i32
    %select_n3A = arith.select %eq3A_14, %jit3A_15, %jit3A : i32
    %rem3A = vector.broadcast %select_n3A : i32 to vector<264x1024xi32>
    %rem3A_16 = arith.remsi %iota3A, %rem3A : vector<264x1024xi32>
    %ne3A = arith.constant 0 : i32
    %ne3A_17 = vector.broadcast %ne3A : i32 to vector<264x1024xi32>
    %ne3A_18 = arith.cmpi ne, %rem3A_16, %ne3A_17 : vector<264x1024xi32>
    %lt3A = arith.constant 0 : i32
    %lt3A_19 = vector.broadcast %lt3A : i32 to vector<264x1024xi32>
    %lt3A_20 = arith.cmpi slt, %rem3A_16, %lt3A_19 : vector<264x1024xi32>
    %lt3A_21 = arith.constant 0 : i32
    %lt3A_22 = arith.cmpi slt, %select_n3A, %lt3A_21 : i32
    %ne3A_23 = vector.broadcast %lt3A_22 : i1 to vector<264x1024xi1>
    %ne3A_24 = vector.broadcast %ne3A_23 : vector<264x1024xi1> to vector<264x1024xi1>
    %ne3A_25 = arith.xori %lt3A_20, %ne3A_24 : vector<264x1024xi1>
    %and3A = arith.andi %ne3A_25, %ne3A_18 : vector<264x1024xi1>
    %add3A = vector.broadcast %select_n3A : i32 to vector<264x1024xi32>
    %add3A_26 = arith.addi %rem3A_16, %add3A : vector<264x1024xi32>
    %select_n3A_27 = arith.select %and3A, %add3A_26, %rem3A_16 : vector<264x1024xi1>, vector<264x1024xi32>
    %convert_element_type3A = arith.sitofp %select_n3A_27 : vector<264x1024xi32> to vector<264x1024xf32>
    %mul3A = arith.constant -0.287823141 : f32
    %mul3A_28 = vector.broadcast %mul3A : f32 to vector<264x1024xf32>
    %mul3A_29 = arith.mulf %convert_element_type3A, %mul3A_28 : vector<264x1024xf32>
    %exp3A = math.exp %mul3A_29 : vector<264x1024xf32>
    %mul3A_30 = vector.broadcast %get3A_13 : vector<264x1xf32> to vector<264x1024xf32>
    %mul3A_31 = arith.mulf %mul3A_30, %exp3A : vector<264x1024xf32>
    %cos3A = math.cos %mul3A_31 : vector<264x1024xf32>
    %mul3A_32 = arith.mulf %dot_general3A_5, %cos3A : vector<264x1024xf32>
    %sin3A = math.sin %mul3A_31 : vector<264x1024xf32>
    %mul3A_33 = arith.mulf %dot_general3A_10, %sin3A : vector<264x1024xf32>
    %add3A_34 = arith.addf %mul3A_32, %mul3A_33 : vector<264x1024xf32>
    %swap3A = arith.constant 0 : index
    %swap3A_35 = arith.constant 0 : index
    %swap3A_36 = vector.load %arg8[%swap3A, %swap3A_35] : memref<264x1024xf32, #tpu.memory_space<vmem>>, vector<264x1024xf32>
    tpu.vector_store %arg8[%swap3A, %swap3A_35], %add3A_34 {strides = array<i32>} : memref<264x1024xf32, #tpu.memory_space<vmem>>, vector<264x1024xf32>,
    %swap3A_37 = arith.constant 0 : index
    %swap3A_38 = arith.constant 0 : index
    %swap3A_39 = vector.load %arg12[%swap3A_37, %swap3A_38] : memref<264x1024xf32, #tpu.memory_space<vmem>>, vector<264x1024xf32>
    tpu.vector_store %arg12[%swap3A_37, %swap3A_38], %dot_general3A_10 {strides = array<i32>} : memref<264x1024xf32, #tpu.memory_space<vmem>>, vector<264x1024xf32>,
    %get3A_40 = arith.constant 0 : index
    %get3A_41 = arith.constant 0 : index
    %get3A_42 = vector.load %arg7[%get3A_40, %get3A_41] : memref<1024x1024xf32, #tpu.memory_space<vmem>>, vector<1024x1024xf32>
    %dot_general3A_43 = arith.constant dense<0.000000e+00> : vector<264x1024xf32>
    %dot_general3A_44 = tpu.matmul %get3A_1, %get3A_42, %dot_general3A_43 {dimension_numbers = #tpu.dot_dimension_numbers<[1], [0], [0], [1], [0, 0, 1, 1], [], []>, transpose_lhs_hint = false} : vector<264x1024xf32>, vector<1024x1024xf32>, vector<264x1024xf32> -> vector<264x1024xf32>
    %swap3A_45 = arith.constant 0 : index
    %swap3A_46 = arith.constant 0 : index
    %swap3A_47 = vector.load %arg9[%swap3A_45, %swap3A_46] : memref<264x1024xf32, #tpu.memory_space<vmem>>, vector<264x1024xf32>
    tpu.vector_store %arg9[%swap3A_45, %swap3A_46], %dot_general3A_44 {strides = array<i32>} : memref<264x1024xf32, #tpu.memory_space<vmem>>, vector<264x1024xf32>,
    %get3A_48 = arith.constant 0 : index
    %get3A_49 = arith.constant 0 : index
    %get3A_50 = vector.load %arg3[%get3A_48, %get3A_49] : memref<1024x1024xf32, #tpu.memory_space<vmem>>, vector<1024x1024xf32>
    %dot_general3A_51 = arith.constant dense<0.000000e+00> : vector<264x1024xf32>
    %dot_general3A_52 = tpu.matmul %get3A_1, %get3A_50, %dot_general3A_51 {dimension_numbers = #tpu.dot_dimension_numbers<[1], [0], [0], [1], [0, 0, 1, 1], [], []>, transpose_lhs_hint = false} : vector<264x1024xf32>, vector<1024x1024xf32>, vector<264x1024xf32> -> vector<264x1024xf32>
    %swap3A_53 = arith.constant 0 : index
    %swap3A_54 = arith.constant 0 : index
    %swap3A_55 = vector.load %arg10[%swap3A_53, %swap3A_54] : memref<264x1024xf32, #tpu.memory_space<vmem>>, vector<264x1024xf32>
    tpu.vector_store %arg10[%swap3A_53, %swap3A_54], %dot_general3A_52 {strides = array<i32>} : memref<264x1024xf32, #tpu.memory_space<vmem>>, vector<264x1024xf32>,
    %get3A_56 = arith.constant 0 : index
    %get3A_57 = arith.constant 0 : index
    %get3A_58 = vector.load %arg4[%get3A_56, %get3A_57] : memref<1024x1024xf32, #tpu.memory_space<vmem>>, vector<1024x1024xf32>
    %dot_general3A_59 = arith.constant dense<0.000000e+00> : vector<264x1024xf32>
    %dot_general3A_60 = tpu.matmul %get3A_1, %get3A_58, %dot_general3A_59 {dimension_numbers = #tpu.dot_dimension_numbers<[1], [0], [0], [1], [0, 0, 1, 1], [], []>, transpose_lhs_hint = false} : vector<264x1024xf32>, vector<1024x1024xf32>, vector<264x1024xf32> -> vector<264x1024xf32>
    %swap3A_61 = arith.constant 0 : index
    %swap3A_62 = arith.constant 0 : index
    %swap3A_63 = vector.load %arg11[%swap3A_61, %swap3A_62] : memref<264x1024xf32, #tpu.memory_space<vmem>>, vector<264x1024xf32>
    tpu.vector_store %arg11[%swap3A_61, %swap3A_62], %dot_general3A_60 {strides = array<i32>} : memref<264x1024xf32, #tpu.memory_space<vmem>>, vector<264x1024xf32>,
    return
  }
  func.func @transform_0(%arg0: i32) -> (i32, i32) {
    %c0_i32 = arith.constant 0 : i32
    %c0_i32_0 = arith.constant 0 : i32
    %c0_i32_1 = arith.constant 0 : i32
    return %c0_i32, %c0_i32_0 : i32, i32
  }
  func.func @transform_1(%arg0: i32) -> (i32, i32) {
    %c0_i32 = arith.constant 0 : i32
    %c0_i32_0 = arith.constant 0 : i32
    %c0_i32_1 = arith.constant 0 : i32
    return %c0_i32, %c0_i32_0 : i32, i32
  }
  func.func @transform_2(%arg0: i32) -> (i32, i32) {
    %c0_i32 = arith.constant 0 : i32
    %c0_i32_0 = arith.constant 0 : i32
    %c0_i32_1 = arith.constant 0 : i32
    return %c0_i32, %c0_i32_0 : i32, i32
  }
  func.func @transform_3(%arg0: i32) -> (i32, i32) {
    %c0_i32 = arith.constant 0 : i32
    %c0_i32_0 = arith.constant 0 : i32
    %c0_i32_1 = arith.constant 0 : i32
    return %c0_i32, %c0_i32_0 : i32, i32
  }
  func.func @transform_4(%arg0: i32) -> (i32, i32) {
    %c0_i32 = arith.constant 0 : i32
    %c0_i32_0 = arith.constant 0 : i32
    %c0_i32_1 = arith.constant 0 : i32
    return %c0_i32, %c0_i32_0 : i32, i32
  }
  func.func @transform_5(%arg0: i32) -> (i32, i32) {
    %c0_i32 = arith.constant 0 : i32
    %c0_i32_0 = arith.constant 0 : i32
    %c0_i32_1 = arith.constant 0 : i32
    return %c0_i32, %c0_i32_0 : i32, i32
  }
  func.func @transform_6(%arg0: i32) -> (i32, i32) {
    %c0_i32 = arith.constant 0 : i32
    %c0_i32_0 = arith.constant 0 : i32
    %c0_i32_1 = arith.constant 0 : i32
    return %c0_i32, %c0_i32_0 : i32, i32
  }
  func.func @transform_7(%arg0: i32) -> (i32, i32) {
    %c0_i32 = arith.constant 0 : i32
    %c0_i32_0 = arith.constant 0 : i32
    %c0_i32_1 = arith.constant 0 : i32
    return %c0_i32, %c0_i32_0 : i32, i32
  }
  func.func @transform_8(%arg0: i32) -> (i32, i32) {
    %c0_i32 = arith.constant 0 : i32
    %c0_i32_0 = arith.constant 0 : i32
    %c0_i32_1 = arith.constant 0 : i32
    return %c0_i32, %c0_i32_0 : i32, i32
  }
  func.func @transform_9(%arg0: i32) -> (i32, i32) {
    %c0_i32 = arith.constant 0 : i32
    %c0_i32_0 = arith.constant 0 : i32
    %c0_i32_1 = arith.constant 0 : i32
    return %c0_i32, %c0_i32_0 : i32, i32
  }
  func.func @transform_10(%arg0: i32) -> (i32, i32) {
    %c0_i32 = arith.constant 0 : i32
    %c0_i32_0 = arith.constant 0 : i32
    %c0_i32_1 = arith.constant 0 : i32
    return %c0_i32, %c0_i32_0 : i32, i32
  }
  func.func @transform_11(%arg0: i32) -> (i32, i32) {
    %c0_i32 = arith.constant 0 : i32
    %c0_i32_0 = arith.constant 0 : i32
    %c0_i32_1 = arith.constant 0 : i32
    return %c0_i32, %c0_i32_0 : i32, i32
  }
}

module attributes {stable_mosaic.version = 14 : i64} {
  func.func @_assemble_kernel(%arg0: i32, %arg1: memref<8x1024xf32, #tpu.memory_space<vmem>>, %arg2: memref<8x1024xf32, #tpu.memory_space<vmem>>, %arg3: memref<8x1024xf32, #tpu.memory_space<vmem>>, %arg4: memref<8x1024xf32, #tpu.memory_space<vmem>>, %arg5: memref<8x1024xf32, #tpu.memory_space<vmem>>, %arg6: memref<8x1024xf32, #tpu.memory_space<vmem>>, %arg7: memref<8x1024xf32, #tpu.memory_space<vmem>>, %arg8: memref<8x1024xf32, #tpu.memory_space<vmem>>, %arg9: memref<8x1024xf32, #tpu.memory_space<vmem>>, %arg10: memref<8x1024xf32, #tpu.memory_space<vmem>>, %arg11: memref<128x16xf32, #tpu.memory_space<vmem>>, %arg12: memref<128x1xf32, #tpu.memory_space<vmem>>, %arg13: memref<128x1024xf32, #tpu.memory_space<vmem>>, %arg14: memref<128x1024xf32, #tpu.memory_space<vmem>>, %arg15: memref<128x1024xf32, #tpu.memory_space<vmem>>) attributes {dimension_semantics = [#tpu.dimension_semantics<arbitrary>], iteration_bounds = array<i64: 16>, scalar_prefetch = 0 : i64, scratch_operands = 0 : i64, tpu.core_type = #tpu.core_type<tc>, window_params = [{transform_indices = @transform_0, window_bounds = array<i64: 8, 1024>}, {transform_indices = @transform_1, window_bounds = array<i64: 8, 1024>}, {transform_indices = @transform_2, window_bounds = array<i64: 8, 1024>}, {transform_indices = @transform_3, window_bounds = array<i64: 8, 1024>}, {transform_indices = @transform_4, window_bounds = array<i64: 8, 1024>}, {transform_indices = @transform_5, window_bounds = array<i64: 8, 1024>}, {transform_indices = @transform_6, window_bounds = array<i64: 8, 1024>}, {transform_indices = @transform_7, window_bounds = array<i64: 8, 1024>}, {transform_indices = @transform_8, window_bounds = array<i64: 8, 1024>}, {transform_indices = @transform_9, window_bounds = array<i64: 8, 1024>}, {pipeline_mode = #tpu.pipeline_mode<synchronous>, transform_indices = @transform_10, window_bounds = array<i64: 128, 16>}, {transform_indices = @transform_11, window_bounds = array<i64: 128, 1>}, {transform_indices = @transform_12, window_bounds = array<i64: 128, 1024>}, {transform_indices = @transform_13, window_bounds = array<i64: 128, 1024>}, {transform_indices = @transform_14, window_bounds = array<i64: 128, 1024>}]} {
    %get3A = arith.constant 0 : index
    %get3A_0 = arith.constant 0 : index
    %get3A_1 = vector.load %arg11[%get3A, %get3A_0] : memref<128x16xf32, #tpu.memory_space<vmem>>, vector<128x16xf32>
    %iota3A = tpu.iota {dimensions = array<i32: 1>} : vector<128x1024xi32>
    %jit3A = arith.constant 32 : i32
    %eq3A = arith.constant 0 : i32
    %eq3A_2 = arith.cmpi eq, %jit3A, %eq3A : i32
    %jit3A_3 = arith.constant 1 : i32
    %select_n3A = arith.select %eq3A_2, %jit3A_3, %jit3A : i32
    %rem3A = vector.broadcast %select_n3A : i32 to vector<128x1024xi32>
    %rem3A_4 = arith.remsi %iota3A, %rem3A : vector<128x1024xi32>
    %ne3A = arith.constant 0 : i32
    %ne3A_5 = vector.broadcast %ne3A : i32 to vector<128x1024xi32>
    %ne3A_6 = arith.cmpi ne, %rem3A_4, %ne3A_5 : vector<128x1024xi32>
    %lt3A = arith.constant 0 : i32
    %lt3A_7 = vector.broadcast %lt3A : i32 to vector<128x1024xi32>
    %lt3A_8 = arith.cmpi slt, %rem3A_4, %lt3A_7 : vector<128x1024xi32>
    %lt3A_9 = arith.constant 0 : i32
    %lt3A_10 = arith.cmpi slt, %select_n3A, %lt3A_9 : i32
    %ne3A_11 = vector.broadcast %lt3A_10 : i1 to vector<128x1024xi1>
    %ne3A_12 = vector.broadcast %ne3A_11 : vector<128x1024xi1> to vector<128x1024xi1>
    %ne3A_13 = arith.xori %lt3A_8, %ne3A_12 : vector<128x1024xi1>
    %and3A = arith.andi %ne3A_13, %ne3A_6 : vector<128x1024xi1>
    %add3A = vector.broadcast %select_n3A : i32 to vector<128x1024xi32>
    %add3A_14 = arith.addi %rem3A_4, %add3A : vector<128x1024xi32>
    %select_n3A_15 = arith.select %and3A, %add3A_14, %rem3A_4 : vector<128x1024xi1>, vector<128x1024xi32>
    %convert_element_type3A = arith.sitofp %select_n3A_15 : vector<128x1024xi32> to vector<128x1024xf32>
    %mul3A = arith.constant -0.287823141 : f32
    %mul3A_16 = vector.broadcast %mul3A : f32 to vector<128x1024xf32>
    %mul3A_17 = arith.mulf %convert_element_type3A, %mul3A_16 : vector<128x1024xf32>
    %exp3A = math.exp %mul3A_17 : vector<128x1024xf32>
    %get3A_18 = arith.constant 0 : index
    %get3A_19 = arith.constant 0 : index
    %get3A_20 = vector.load %arg12[%get3A_18, %get3A_19] : memref<128x1xf32, #tpu.memory_space<vmem>>, vector<128x1xf32>
    %mul3A_21 = vector.broadcast %get3A_20 : vector<128x1xf32> to vector<128x1024xf32>
    %mul3A_22 = arith.mulf %mul3A_21, %exp3A : vector<128x1024xf32>
    %cos3A = math.cos %mul3A_22 : vector<128x1024xf32>
    %sin3A = math.sin %mul3A_22 : vector<128x1024xf32>
    %get3A_23 = arith.constant 0 : index
    %get3A_24 = arith.constant 0 : index
    %get3A_25 = vector.load %arg1[%get3A_23, %get3A_24] : memref<8x1024xf32, #tpu.memory_space<vmem>>, vector<8x1024xf32>
    %get3A_26 = arith.constant 0 : index
    %get3A_27 = arith.constant 0 : index
    %get3A_28 = vector.load %arg2[%get3A_26, %get3A_27] : memref<8x1024xf32, #tpu.memory_space<vmem>>, vector<8x1024xf32>
    %concatenate3A = tpu.concatenate %get3A_25, %get3A_28 in 0 : vector<8x1024xf32>, vector<8x1024xf32> -> vector<16x1024xf32>
    %dot_general3A = arith.constant dense<0.000000e+00> : vector<128x1024xf32>
    %dot_general3A_29 = tpu.matmul %get3A_1, %concatenate3A, %dot_general3A {dimension_numbers = #tpu.dot_dimension_numbers<[1], [0], [0], [1], [0, 0, 1, 1], [], []>, transpose_lhs_hint = false} : vector<128x16xf32>, vector<16x1024xf32>, vector<128x1024xf32> -> vector<128x1024xf32>
    %mul3A_30 = arith.mulf %dot_general3A_29, %cos3A : vector<128x1024xf32>
    %get3A_31 = arith.constant 0 : index
    %get3A_32 = arith.constant 0 : index
    %get3A_33 = vector.load %arg3[%get3A_31, %get3A_32] : memref<8x1024xf32, #tpu.memory_space<vmem>>, vector<8x1024xf32>
    %get3A_34 = arith.constant 0 : index
    %get3A_35 = arith.constant 0 : index
    %get3A_36 = vector.load %arg4[%get3A_34, %get3A_35] : memref<8x1024xf32, #tpu.memory_space<vmem>>, vector<8x1024xf32>
    %concatenate3A_37 = tpu.concatenate %get3A_33, %get3A_36 in 0 : vector<8x1024xf32>, vector<8x1024xf32> -> vector<16x1024xf32>
    %dot_general3A_38 = arith.constant dense<0.000000e+00> : vector<128x1024xf32>
    %dot_general3A_39 = tpu.matmul %get3A_1, %concatenate3A_37, %dot_general3A_38 {dimension_numbers = #tpu.dot_dimension_numbers<[1], [0], [0], [1], [0, 0, 1, 1], [], []>, transpose_lhs_hint = false} : vector<128x16xf32>, vector<16x1024xf32>, vector<128x1024xf32> -> vector<128x1024xf32>
    %mul3A_40 = arith.mulf %dot_general3A_39, %sin3A : vector<128x1024xf32>
    %add3A_41 = arith.addf %mul3A_30, %mul3A_40 : vector<128x1024xf32>
    %swap3A = arith.constant 0 : index
    %swap3A_42 = arith.constant 0 : index
    %swap3A_43 = vector.load %arg13[%swap3A, %swap3A_42] : memref<128x1024xf32, #tpu.memory_space<vmem>>, vector<128x1024xf32>
    tpu.vector_store %arg13[%swap3A, %swap3A_42], %add3A_41 {strides = array<i32>} : memref<128x1024xf32, #tpu.memory_space<vmem>>, vector<128x1024xf32>,
    %get3A_44 = arith.constant 0 : index
    %get3A_45 = arith.constant 0 : index
    %get3A_46 = vector.load %arg5[%get3A_44, %get3A_45] : memref<8x1024xf32, #tpu.memory_space<vmem>>, vector<8x1024xf32>
    %get3A_47 = arith.constant 0 : index
    %get3A_48 = arith.constant 0 : index
    %get3A_49 = vector.load %arg6[%get3A_47, %get3A_48] : memref<8x1024xf32, #tpu.memory_space<vmem>>, vector<8x1024xf32>
    %concatenate3A_50 = tpu.concatenate %get3A_46, %get3A_49 in 0 : vector<8x1024xf32>, vector<8x1024xf32> -> vector<16x1024xf32>
    %dot_general3A_51 = arith.constant dense<0.000000e+00> : vector<128x1024xf32>
    %dot_general3A_52 = tpu.matmul %get3A_1, %concatenate3A_50, %dot_general3A_51 {dimension_numbers = #tpu.dot_dimension_numbers<[1], [0], [0], [1], [0, 0, 1, 1], [], []>, transpose_lhs_hint = false} : vector<128x16xf32>, vector<16x1024xf32>, vector<128x1024xf32> -> vector<128x1024xf32>
    %mul3A_53 = arith.mulf %dot_general3A_52, %cos3A : vector<128x1024xf32>
    %get3A_54 = arith.constant 0 : index
    %get3A_55 = arith.constant 0 : index
    %get3A_56 = vector.load %arg7[%get3A_54, %get3A_55] : memref<8x1024xf32, #tpu.memory_space<vmem>>, vector<8x1024xf32>
    %get3A_57 = arith.constant 0 : index
    %get3A_58 = arith.constant 0 : index
    %get3A_59 = vector.load %arg8[%get3A_57, %get3A_58] : memref<8x1024xf32, #tpu.memory_space<vmem>>, vector<8x1024xf32>
    %concatenate3A_60 = tpu.concatenate %get3A_56, %get3A_59 in 0 : vector<8x1024xf32>, vector<8x1024xf32> -> vector<16x1024xf32>
    %dot_general3A_61 = arith.constant dense<0.000000e+00> : vector<128x1024xf32>
    %dot_general3A_62 = tpu.matmul %get3A_1, %concatenate3A_60, %dot_general3A_61 {dimension_numbers = #tpu.dot_dimension_numbers<[1], [0], [0], [1], [0, 0, 1, 1], [], []>, transpose_lhs_hint = false} : vector<128x16xf32>, vector<16x1024xf32>, vector<128x1024xf32> -> vector<128x1024xf32>
    %mul3A_63 = arith.mulf %dot_general3A_62, %sin3A : vector<128x1024xf32>
    %add3A_64 = arith.addf %mul3A_53, %mul3A_63 : vector<128x1024xf32>
    %swap3A_65 = arith.constant 0 : index
    %swap3A_66 = arith.constant 0 : index
    %swap3A_67 = vector.load %arg14[%swap3A_65, %swap3A_66] : memref<128x1024xf32, #tpu.memory_space<vmem>>, vector<128x1024xf32>
    tpu.vector_store %arg14[%swap3A_65, %swap3A_66], %add3A_64 {strides = array<i32>} : memref<128x1024xf32, #tpu.memory_space<vmem>>, vector<128x1024xf32>,
    %get3A_68 = arith.constant 0 : index
    %get3A_69 = arith.constant 0 : index
    %get3A_70 = vector.load %arg9[%get3A_68, %get3A_69] : memref<8x1024xf32, #tpu.memory_space<vmem>>, vector<8x1024xf32>
    %get3A_71 = arith.constant 0 : index
    %get3A_72 = arith.constant 0 : index
    %get3A_73 = vector.load %arg10[%get3A_71, %get3A_72] : memref<8x1024xf32, #tpu.memory_space<vmem>>, vector<8x1024xf32>
    %concatenate3A_74 = tpu.concatenate %get3A_70, %get3A_73 in 0 : vector<8x1024xf32>, vector<8x1024xf32> -> vector<16x1024xf32>
    %dot_general3A_75 = arith.constant dense<0.000000e+00> : vector<128x1024xf32>
    %dot_general3A_76 = tpu.matmul %get3A_1, %concatenate3A_74, %dot_general3A_75 {dimension_numbers = #tpu.dot_dimension_numbers<[1], [0], [0], [1], [0, 0, 1, 1], [], []>, transpose_lhs_hint = false} : vector<128x16xf32>, vector<16x1024xf32>, vector<128x1024xf32> -> vector<128x1024xf32>
    %swap3A_77 = arith.constant 0 : index
    %swap3A_78 = arith.constant 0 : index
    %swap3A_79 = vector.load %arg15[%swap3A_77, %swap3A_78] : memref<128x1024xf32, #tpu.memory_space<vmem>>, vector<128x1024xf32>
    tpu.vector_store %arg15[%swap3A_77, %swap3A_78], %dot_general3A_76 {strides = array<i32>} : memref<128x1024xf32, #tpu.memory_space<vmem>>, vector<128x1024xf32>,
    return
  }
  func.func @transform_0(%arg0: i32) -> (i32, i32) {
    %add3A = arith.constant 16 : i32
    %add3A_0 = arith.addi %add3A, %arg0 : i32
    %c0_i32 = arith.constant 0 : i32
    %c0_i32_1 = arith.constant 0 : i32
    return %add3A_0, %c0_i32 : i32, i32
  }
  func.func @transform_1(%arg0: i32) -> (i32, i32) {
    %c32_i32 = arith.constant 32 : i32
    %c0_i32 = arith.constant 0 : i32
    %c0_i32_0 = arith.constant 0 : i32
    return %c32_i32, %c0_i32 : i32, i32
  }
  func.func @transform_2(%arg0: i32) -> (i32, i32) {
    %add3A = arith.constant 16 : i32
    %add3A_0 = arith.addi %add3A, %arg0 : i32
    %c0_i32 = arith.constant 0 : i32
    %c0_i32_1 = arith.constant 0 : i32
    return %add3A_0, %c0_i32 : i32, i32
  }
  func.func @transform_3(%arg0: i32) -> (i32, i32) {
    %c32_i32 = arith.constant 32 : i32
    %c0_i32 = arith.constant 0 : i32
    %c0_i32_0 = arith.constant 0 : i32
    return %c32_i32, %c0_i32 : i32, i32
  }
  func.func @transform_4(%arg0: i32) -> (i32, i32) {
    %add3A = arith.constant 16 : i32
    %add3A_0 = arith.addi %add3A, %arg0 : i32
    %c0_i32 = arith.constant 0 : i32
    %c0_i32_1 = arith.constant 0 : i32
    return %add3A_0, %c0_i32 : i32, i32
  }
  func.func @transform_5(%arg0: i32) -> (i32, i32) {
    %c32_i32 = arith.constant 32 : i32
    %c0_i32 = arith.constant 0 : i32
    %c0_i32_0 = arith.constant 0 : i32
    return %c32_i32, %c0_i32 : i32, i32
  }
  func.func @transform_6(%arg0: i32) -> (i32, i32) {
    %add3A = arith.constant 16 : i32
    %add3A_0 = arith.addi %add3A, %arg0 : i32
    %c0_i32 = arith.constant 0 : i32
    %c0_i32_1 = arith.constant 0 : i32
    return %add3A_0, %c0_i32 : i32, i32
  }
  func.func @transform_7(%arg0: i32) -> (i32, i32) {
    %c32_i32 = arith.constant 32 : i32
    %c0_i32 = arith.constant 0 : i32
    %c0_i32_0 = arith.constant 0 : i32
    return %c32_i32, %c0_i32 : i32, i32
  }
  func.func @transform_8(%arg0: i32) -> (i32, i32) {
    %add3A = arith.constant 16 : i32
    %add3A_0 = arith.addi %add3A, %arg0 : i32
    %c0_i32 = arith.constant 0 : i32
    %c0_i32_1 = arith.constant 0 : i32
    return %add3A_0, %c0_i32 : i32, i32
  }
  func.func @transform_9(%arg0: i32) -> (i32, i32) {
    %c32_i32 = arith.constant 32 : i32
    %c0_i32 = arith.constant 0 : i32
    %c0_i32_0 = arith.constant 0 : i32
    return %c32_i32, %c0_i32 : i32, i32
  }
  func.func @transform_10(%arg0: i32) -> (i32, i32) {
    %c0_i32 = arith.constant 0 : i32
    %c0_i32_0 = arith.constant 0 : i32
    %c0_i32_1 = arith.constant 0 : i32
    return %c0_i32, %c0_i32_0 : i32, i32
  }
  func.func @transform_11(%arg0: i32) -> (i32, i32) {
    %c0_i32 = arith.constant 0 : i32
    %c0_i32_0 = arith.constant 0 : i32
    return %arg0, %c0_i32 : i32, i32
  }
  func.func @transform_12(%arg0: i32) -> (i32, i32) {
    %c0_i32 = arith.constant 0 : i32
    %c0_i32_0 = arith.constant 0 : i32
    return %arg0, %c0_i32 : i32, i32
  }
  func.func @transform_13(%arg0: i32) -> (i32, i32) {
    %c0_i32 = arith.constant 0 : i32
    %c0_i32_0 = arith.constant 0 : i32
    return %arg0, %c0_i32 : i32, i32
  }
  func.func @transform_14(%arg0: i32) -> (i32, i32) {
    %c0_i32 = arith.constant 0 : i32
    %c0_i32_0 = arith.constant 0 : i32
    return %arg0, %c0_i32 : i32, i32
  }
}

module attributes {stable_mosaic.version = 14 : i64} {
  func.func @_attention_kernel(%arg0: i32, %arg1: memref<4096x64xf32, #tpu.memory_space<vmem>>, %arg2: memref<256x64xf32, #tpu.memory_space<vmem>>, %arg3: memref<4096x64xf32, #tpu.memory_space<vmem>>, %arg4: memref<256x64xf32, #tpu.memory_space<vmem>>, %arg5: memref<4096x64xf32, #tpu.memory_space<vmem>>, %arg6: memref<256x272xf32, #tpu.memory_space<vmem>>, %arg7: memref<4096x64xf32, #tpu.memory_space<vmem>>) attributes {dimension_semantics = [#tpu.dimension_semantics<arbitrary>], iteration_bounds = array<i64: 8>, scalar_prefetch = 0 : i64, scratch_operands = 0 : i64, tpu.core_type = #tpu.core_type<tc>, window_params = [{transform_indices = @transform_0, window_bounds = array<i64: 4096, 64>}, {transform_indices = @transform_1, window_bounds = array<i64: 256, 64>}, {transform_indices = @transform_2, window_bounds = array<i64: 4096, 64>}, {transform_indices = @transform_3, window_bounds = array<i64: 256, 64>}, {transform_indices = @transform_4, window_bounds = array<i64: 4096, 64>}, {pipeline_mode = #tpu.pipeline_mode<synchronous>, transform_indices = @transform_5, window_bounds = array<i64: 256, 272>}, {transform_indices = @transform_6, window_bounds = array<i64: 4096, 64>}]} {
    %get3A = arith.constant 0 : index
    %get3A_0 = arith.constant 0 : index
    %get3A_1 = vector.load %arg6[%get3A, %get3A_0] : memref<256x272xf32, #tpu.memory_space<vmem>>, vector<256x272xf32>
    %gt3A = arith.constant 5.000000e-01 : f32
    %gt3A_2 = vector.broadcast %gt3A : f32 to vector<256x272xf32>
    %gt3A_3 = arith.cmpf ogt, %get3A_1, %gt3A_2 : vector<256x272xf32>
    %get3A_4 = arith.constant 0 : index
    %get3A_5 = arith.constant 0 : index
    %get3A_6 = vector.load %arg1[%get3A_4, %get3A_5] : memref<4096x64xf32, #tpu.memory_space<vmem>>, vector<256x64xf32>
    %get3A_7 = arith.constant 0 : index
    %get3A_8 = arith.constant 0 : index
    %get3A_9 = vector.load %arg2[%get3A_7, %get3A_8] : memref<256x64xf32, #tpu.memory_space<vmem>>, vector<16x64xf32>
    %get3A_10 = arith.constant 0 : index
    %get3A_11 = arith.constant 0 : index
    %get3A_12 = vector.load %arg3[%get3A_10, %get3A_11] : memref<4096x64xf32, #tpu.memory_space<vmem>>, vector<256x64xf32>
    %concatenate3A = tpu.concatenate %get3A_9, %get3A_12 in 0 : vector<16x64xf32>, vector<256x64xf32> -> vector<272x64xf32>
    %get3A_13 = arith.constant 0 : index
    %get3A_14 = arith.constant 0 : index
    %get3A_15 = vector.load %arg4[%get3A_13, %get3A_14] : memref<256x64xf32, #tpu.memory_space<vmem>>, vector<16x64xf32>
    %get3A_16 = arith.constant 0 : index
    %get3A_17 = arith.constant 0 : index
    %get3A_18 = vector.load %arg5[%get3A_16, %get3A_17] : memref<4096x64xf32, #tpu.memory_space<vmem>>, vector<256x64xf32>
    %concatenate3A_19 = tpu.concatenate %get3A_15, %get3A_18 in 0 : vector<16x64xf32>, vector<256x64xf32> -> vector<272x64xf32>
    %dot_general3A = arith.constant dense<0.000000e+00> : vector<256x272xf32>
    %dot_general3A_20 = tpu.matmul %get3A_6, %concatenate3A, %dot_general3A {dimension_numbers = #tpu.dot_dimension_numbers<[1], [1], [0], [0], [0, 0, 1, 0], [], []>, transpose_lhs_hint = false} : vector<256x64xf32>, vector<272x64xf32>, vector<256x272xf32> -> vector<256x272xf32>
    %mul3A = arith.constant 1.250000e-01 : f32
    %mul3A_21 = vector.broadcast %mul3A : f32 to vector<256x272xf32>
    %mul3A_22 = arith.mulf %dot_general3A_20, %mul3A_21 : vector<256x272xf32>
    %jit3A = arith.constant -1.000000e+30 : f32
    %broadcast_in_dim3A = vector.broadcast %jit3A : f32 to vector<256x272xf32>
    %select_n3A = arith.select %gt3A_3, %mul3A_22, %broadcast_in_dim3A : vector<256x272xi1>, vector<256x272xf32>
    %reduce_max3A = arith.constant dense<0xFF800000> : vector<256xf32>
    %reduce_max3A_23 = vector.multi_reduction <maximumf>, %select_n3A, %reduce_max3A [1] : vector<256x272xf32> to vector<256xf32>
    %broadcast_in_dim3A_24 = vector.shape_cast %reduce_max3A_23 : vector<256xf32> to vector<256x1xf32>
    %sub3A = vector.broadcast %broadcast_in_dim3A_24 : vector<256x1xf32> to vector<256x272xf32>
    %sub3A_25 = arith.subf %mul3A_22, %sub3A : vector<256x272xf32>
    %exp3A = math.exp %sub3A_25 : vector<256x272xf32>
    %jit3A_26 = arith.constant 0.000000e+00 : f32
    %broadcast_in_dim3A_27 = vector.broadcast %jit3A_26 : f32 to vector<256x272xf32>
    %select_n3A_28 = arith.select %gt3A_3, %exp3A, %broadcast_in_dim3A_27 : vector<256x272xi1>, vector<256x272xf32>
    %reduce_sum3A = arith.constant dense<0.000000e+00> : vector<256xf32>
    %reduce_sum3A_29 = vector.multi_reduction <add>, %select_n3A_28, %reduce_sum3A [1] : vector<256x272xf32> to vector<256xf32>
    %broadcast_in_dim3A_30 = vector.shape_cast %reduce_sum3A_29 : vector<256xf32> to vector<256x1xf32>
    %div3A = vector.broadcast %broadcast_in_dim3A_30 : vector<256x1xf32> to vector<256x272xf32>
    %div3A_31 = arith.divf %select_n3A_28, %div3A : vector<256x272xf32>
    %dot_general3A_32 = arith.constant dense<0.000000e+00> : vector<256x64xf32>
    %dot_general3A_33 = tpu.matmul %div3A_31, %concatenate3A_19, %dot_general3A_32 {dimension_numbers = #tpu.dot_dimension_numbers<[1], [0], [0], [1], [0, 0, 1, 1], [], []>, transpose_lhs_hint = false} : vector<256x272xf32>, vector<272x64xf32>, vector<256x64xf32> -> vector<256x64xf32>
    %swap3A = arith.constant 0 : index
    %swap3A_34 = arith.constant 0 : index
    %swap3A_35 = vector.load %arg7[%swap3A, %swap3A_34] : memref<4096x64xf32, #tpu.memory_space<vmem>>, vector<256x64xf32>
    tpu.vector_store %arg7[%swap3A, %swap3A_34], %dot_general3A_33 {strides = array<i32>} : memref<4096x64xf32, #tpu.memory_space<vmem>>, vector<256x64xf32>,
    %get3A_36 = arith.constant 256 : index
    %get3A_37 = arith.constant 0 : index
    %get3A_38 = vector.load %arg1[%get3A_36, %get3A_37] : memref<4096x64xf32, #tpu.memory_space<vmem>>, vector<256x64xf32>
    %get3A_39 = arith.constant 16 : index
    %get3A_40 = arith.constant 0 : index
    %get3A_41 = vector.load %arg2[%get3A_39, %get3A_40] : memref<256x64xf32, #tpu.memory_space<vmem>>, vector<16x64xf32>
    %get3A_42 = arith.constant 256 : index
    %get3A_43 = arith.constant 0 : index
    %get3A_44 = vector.load %arg3[%get3A_42, %get3A_43] : memref<4096x64xf32, #tpu.memory_space<vmem>>, vector<256x64xf32>
    %concatenate3A_45 = tpu.concatenate %get3A_41, %get3A_44 in 0 : vector<16x64xf32>, vector<256x64xf32> -> vector<272x64xf32>
    %get3A_46 = arith.constant 16 : index
    %get3A_47 = arith.constant 0 : index
    %get3A_48 = vector.load %arg4[%get3A_46, %get3A_47] : memref<256x64xf32, #tpu.memory_space<vmem>>, vector<16x64xf32>
    %get3A_49 = arith.constant 256 : index
    %get3A_50 = arith.constant 0 : index
    %get3A_51 = vector.load %arg5[%get3A_49, %get3A_50] : memref<4096x64xf32, #tpu.memory_space<vmem>>, vector<256x64xf32>
    %concatenate3A_52 = tpu.concatenate %get3A_48, %get3A_51 in 0 : vector<16x64xf32>, vector<256x64xf32> -> vector<272x64xf32>
    %dot_general3A_53 = arith.constant dense<0.000000e+00> : vector<256x272xf32>
    %dot_general3A_54 = tpu.matmul %get3A_38, %concatenate3A_45, %dot_general3A_53 {dimension_numbers = #tpu.dot_dimension_numbers<[1], [1], [0], [0], [0, 0, 1, 0], [], []>, transpose_lhs_hint = false} : vector<256x64xf32>, vector<272x64xf32>, vector<256x272xf32> -> vector<256x272xf32>
    %mul3A_55 = arith.constant 1.250000e-01 : f32
    %mul3A_56 = vector.broadcast %mul3A_55 : f32 to vector<256x272xf32>
    %mul3A_57 = arith.mulf %dot_general3A_54, %mul3A_56 : vector<256x272xf32>
    %jit3A_58 = arith.constant -1.000000e+30 : f32
    %broadcast_in_dim3A_59 = vector.broadcast %jit3A_58 : f32 to vector<256x272xf32>
    %select_n3A_60 = arith.select %gt3A_3, %mul3A_57, %broadcast_in_dim3A_59 : vector<256x272xi1>, vector<256x272xf32>
    %reduce_max3A_61 = arith.constant dense<0xFF800000> : vector<256xf32>
    %reduce_max3A_62 = vector.multi_reduction <maximumf>, %select_n3A_60, %reduce_max3A_61 [1] : vector<256x272xf32> to vector<256xf32>
    %broadcast_in_dim3A_63 = vector.shape_cast %reduce_max3A_62 : vector<256xf32> to vector<256x1xf32>
    %sub3A_64 = vector.broadcast %broadcast_in_dim3A_63 : vector<256x1xf32> to vector<256x272xf32>
    %sub3A_65 = arith.subf %mul3A_57, %sub3A_64 : vector<256x272xf32>
    %exp3A_66 = math.exp %sub3A_65 : vector<256x272xf32>
    %jit3A_67 = arith.constant 0.000000e+00 : f32
    %broadcast_in_dim3A_68 = vector.broadcast %jit3A_67 : f32 to vector<256x272xf32>
    %select_n3A_69 = arith.select %gt3A_3, %exp3A_66, %broadcast_in_dim3A_68 : vector<256x272xi1>, vector<256x272xf32>
    %reduce_sum3A_70 = arith.constant dense<0.000000e+00> : vector<256xf32>
    %reduce_sum3A_71 = vector.multi_reduction <add>, %select_n3A_69, %reduce_sum3A_70 [1] : vector<256x272xf32> to vector<256xf32>
    %broadcast_in_dim3A_72 = vector.shape_cast %reduce_sum3A_71 : vector<256xf32> to vector<256x1xf32>
    %div3A_73 = vector.broadcast %broadcast_in_dim3A_72 : vector<256x1xf32> to vector<256x272xf32>
    %div3A_74 = arith.divf %select_n3A_69, %div3A_73 : vector<256x272xf32>
    %dot_general3A_75 = arith.constant dense<0.000000e+00> : vector<256x64xf32>
    %dot_general3A_76 = tpu.matmul %div3A_74, %concatenate3A_52, %dot_general3A_75 {dimension_numbers = #tpu.dot_dimension_numbers<[1], [0], [0], [1], [0, 0, 1, 1], [], []>, transpose_lhs_hint = false} : vector<256x272xf32>, vector<272x64xf32>, vector<256x64xf32> -> vector<256x64xf32>
    %swap3A_77 = arith.constant 256 : index
    %swap3A_78 = arith.constant 0 : index
    %swap3A_79 = vector.load %arg7[%swap3A_77, %swap3A_78] : memref<4096x64xf32, #tpu.memory_space<vmem>>, vector<256x64xf32>
    tpu.vector_store %arg7[%swap3A_77, %swap3A_78], %dot_general3A_76 {strides = array<i32>} : memref<4096x64xf32, #tpu.memory_space<vmem>>, vector<256x64xf32>,
    %get3A_80 = arith.constant 512 : index
    %get3A_81 = arith.constant 0 : index
    %get3A_82 = vector.load %arg1[%get3A_80, %get3A_81] : memref<4096x64xf32, #tpu.memory_space<vmem>>, vector<256x64xf32>
    %get3A_83 = arith.constant 32 : index
    %get3A_84 = arith.constant 0 : index
    %get3A_85 = vector.load %arg2[%get3A_83, %get3A_84] : memref<256x64xf32, #tpu.memory_space<vmem>>, vector<16x64xf32>
    %get3A_86 = arith.constant 512 : index
    %get3A_87 = arith.constant 0 : index
    %get3A_88 = vector.load %arg3[%get3A_86, %get3A_87] : memref<4096x64xf32, #tpu.memory_space<vmem>>, vector<256x64xf32>
    %concatenate3A_89 = tpu.concatenate %get3A_85, %get3A_88 in 0 : vector<16x64xf32>, vector<256x64xf32> -> vector<272x64xf32>
    %get3A_90 = arith.constant 32 : index
    %get3A_91 = arith.constant 0 : index
    %get3A_92 = vector.load %arg4[%get3A_90, %get3A_91] : memref<256x64xf32, #tpu.memory_space<vmem>>, vector<16x64xf32>
    %get3A_93 = arith.constant 512 : index
    %get3A_94 = arith.constant 0 : index
    %get3A_95 = vector.load %arg5[%get3A_93, %get3A_94] : memref<4096x64xf32, #tpu.memory_space<vmem>>, vector<256x64xf32>
    %concatenate3A_96 = tpu.concatenate %get3A_92, %get3A_95 in 0 : vector<16x64xf32>, vector<256x64xf32> -> vector<272x64xf32>
    %dot_general3A_97 = arith.constant dense<0.000000e+00> : vector<256x272xf32>
    %dot_general3A_98 = tpu.matmul %get3A_82, %concatenate3A_89, %dot_general3A_97 {dimension_numbers = #tpu.dot_dimension_numbers<[1], [1], [0], [0], [0, 0, 1, 0], [], []>, transpose_lhs_hint = false} : vector<256x64xf32>, vector<272x64xf32>, vector<256x272xf32> -> vector<256x272xf32>
    %mul3A_99 = arith.constant 1.250000e-01 : f32
    %mul3A_100 = vector.broadcast %mul3A_99 : f32 to vector<256x272xf32>
    %mul3A_101 = arith.mulf %dot_general3A_98, %mul3A_100 : vector<256x272xf32>
    %jit3A_102 = arith.constant -1.000000e+30 : f32
    %broadcast_in_dim3A_103 = vector.broadcast %jit3A_102 : f32 to vector<256x272xf32>
    %select_n3A_104 = arith.select %gt3A_3, %mul3A_101, %broadcast_in_dim3A_103 : vector<256x272xi1>, vector<256x272xf32>
    %reduce_max3A_105 = arith.constant dense<0xFF800000> : vector<256xf32>
    %reduce_max3A_106 = vector.multi_reduction <maximumf>, %select_n3A_104, %reduce_max3A_105 [1] : vector<256x272xf32> to vector<256xf32>
    %broadcast_in_dim3A_107 = vector.shape_cast %reduce_max3A_106 : vector<256xf32> to vector<256x1xf32>
    %sub3A_108 = vector.broadcast %broadcast_in_dim3A_107 : vector<256x1xf32> to vector<256x272xf32>
    %sub3A_109 = arith.subf %mul3A_101, %sub3A_108 : vector<256x272xf32>
    %exp3A_110 = math.exp %sub3A_109 : vector<256x272xf32>
    %jit3A_111 = arith.constant 0.000000e+00 : f32
    %broadcast_in_dim3A_112 = vector.broadcast %jit3A_111 : f32 to vector<256x272xf32>
    %select_n3A_113 = arith.select %gt3A_3, %exp3A_110, %broadcast_in_dim3A_112 : vector<256x272xi1>, vector<256x272xf32>
    %reduce_sum3A_114 = arith.constant dense<0.000000e+00> : vector<256xf32>
    %reduce_sum3A_115 = vector.multi_reduction <add>, %select_n3A_113, %reduce_sum3A_114 [1] : vector<256x272xf32> to vector<256xf32>
    %broadcast_in_dim3A_116 = vector.shape_cast %reduce_sum3A_115 : vector<256xf32> to vector<256x1xf32>
    %div3A_117 = vector.broadcast %broadcast_in_dim3A_116 : vector<256x1xf32> to vector<256x272xf32>
    %div3A_118 = arith.divf %select_n3A_113, %div3A_117 : vector<256x272xf32>
    %dot_general3A_119 = arith.constant dense<0.000000e+00> : vector<256x64xf32>
    %dot_general3A_120 = tpu.matmul %div3A_118, %concatenate3A_96, %dot_general3A_119 {dimension_numbers = #tpu.dot_dimension_numbers<[1], [0], [0], [1], [0, 0, 1, 1], [], []>, transpose_lhs_hint = false} : vector<256x272xf32>, vector<272x64xf32>, vector<256x64xf32> -> vector<256x64xf32>
    %swap3A_121 = arith.constant 512 : index
    %swap3A_122 = arith.constant 0 : index
    %swap3A_123 = vector.load %arg7[%swap3A_121, %swap3A_122] : memref<4096x64xf32, #tpu.memory_space<vmem>>, vector<256x64xf32>
    tpu.vector_store %arg7[%swap3A_121, %swap3A_122], %dot_general3A_120 {strides = array<i32>} : memref<4096x64xf32, #tpu.memory_space<vmem>>, vector<256x64xf32>,
    %get3A_124 = arith.constant 768 : index
    %get3A_125 = arith.constant 0 : index
    %get3A_126 = vector.load %arg1[%get3A_124, %get3A_125] : memref<4096x64xf32, #tpu.memory_space<vmem>>, vector<256x64xf32>
    %get3A_127 = arith.constant 48 : index
    %get3A_128 = arith.constant 0 : index
    %get3A_129 = vector.load %arg2[%get3A_127, %get3A_128] : memref<256x64xf32, #tpu.memory_space<vmem>>, vector<16x64xf32>
    %get3A_130 = arith.constant 768 : index
    %get3A_131 = arith.constant 0 : index
    %get3A_132 = vector.load %arg3[%get3A_130, %get3A_131] : memref<4096x64xf32, #tpu.memory_space<vmem>>, vector<256x64xf32>
    %concatenate3A_133 = tpu.concatenate %get3A_129, %get3A_132 in 0 : vector<16x64xf32>, vector<256x64xf32> -> vector<272x64xf32>
    %get3A_134 = arith.constant 48 : index
    %get3A_135 = arith.constant 0 : index
    %get3A_136 = vector.load %arg4[%get3A_134, %get3A_135] : memref<256x64xf32, #tpu.memory_space<vmem>>, vector<16x64xf32>
    %get3A_137 = arith.constant 768 : index
    %get3A_138 = arith.constant 0 : index
    %get3A_139 = vector.load %arg5[%get3A_137, %get3A_138] : memref<4096x64xf32, #tpu.memory_space<vmem>>, vector<256x64xf32>
    %concatenate3A_140 = tpu.concatenate %get3A_136, %get3A_139 in 0 : vector<16x64xf32>, vector<256x64xf32> -> vector<272x64xf32>
    %dot_general3A_141 = arith.constant dense<0.000000e+00> : vector<256x272xf32>
    %dot_general3A_142 = tpu.matmul %get3A_126, %concatenate3A_133, %dot_general3A_141 {dimension_numbers = #tpu.dot_dimension_numbers<[1], [1], [0], [0], [0, 0, 1, 0], [], []>, transpose_lhs_hint = false} : vector<256x64xf32>, vector<272x64xf32>, vector<256x272xf32> -> vector<256x272xf32>
    %mul3A_143 = arith.constant 1.250000e-01 : f32
    %mul3A_144 = vector.broadcast %mul3A_143 : f32 to vector<256x272xf32>
    %mul3A_145 = arith.mulf %dot_general3A_142, %mul3A_144 : vector<256x272xf32>
    %jit3A_146 = arith.constant -1.000000e+30 : f32
    %broadcast_in_dim3A_147 = vector.broadcast %jit3A_146 : f32 to vector<256x272xf32>
    %select_n3A_148 = arith.select %gt3A_3, %mul3A_145, %broadcast_in_dim3A_147 : vector<256x272xi1>, vector<256x272xf32>
    %reduce_max3A_149 = arith.constant dense<0xFF800000> : vector<256xf32>
    %reduce_max3A_150 = vector.multi_reduction <maximumf>, %select_n3A_148, %reduce_max3A_149 [1] : vector<256x272xf32> to vector<256xf32>
    %broadcast_in_dim3A_151 = vector.shape_cast %reduce_max3A_150 : vector<256xf32> to vector<256x1xf32>
    %sub3A_152 = vector.broadcast %broadcast_in_dim3A_151 : vector<256x1xf32> to vector<256x272xf32>
    %sub3A_153 = arith.subf %mul3A_145, %sub3A_152 : vector<256x272xf32>
    %exp3A_154 = math.exp %sub3A_153 : vector<256x272xf32>
    %jit3A_155 = arith.constant 0.000000e+00 : f32
    %broadcast_in_dim3A_156 = vector.broadcast %jit3A_155 : f32 to vector<256x272xf32>
    %select_n3A_157 = arith.select %gt3A_3, %exp3A_154, %broadcast_in_dim3A_156 : vector<256x272xi1>, vector<256x272xf32>
    %reduce_sum3A_158 = arith.constant dense<0.000000e+00> : vector<256xf32>
    %reduce_sum3A_159 = vector.multi_reduction <add>, %select_n3A_157, %reduce_sum3A_158 [1] : vector<256x272xf32> to vector<256xf32>
    %broadcast_in_dim3A_160 = vector.shape_cast %reduce_sum3A_159 : vector<256xf32> to vector<256x1xf32>
    %div3A_161 = vector.broadcast %broadcast_in_dim3A_160 : vector<256x1xf32> to vector<256x272xf32>
    %div3A_162 = arith.divf %select_n3A_157, %div3A_161 : vector<256x272xf32>
    %dot_general3A_163 = arith.constant dense<0.000000e+00> : vector<256x64xf32>
    %dot_general3A_164 = tpu.matmul %div3A_162, %concatenate3A_140, %dot_general3A_163 {dimension_numbers = #tpu.dot_dimension_numbers<[1], [0], [0], [1], [0, 0, 1, 1], [], []>, transpose_lhs_hint = false} : vector<256x272xf32>, vector<272x64xf32>, vector<256x64xf32> -> vector<256x64xf32>
    %swap3A_165 = arith.constant 768 : index
    %swap3A_166 = arith.constant 0 : index
    %swap3A_167 = vector.load %arg7[%swap3A_165, %swap3A_166] : memref<4096x64xf32, #tpu.memory_space<vmem>>, vector<256x64xf32>
    tpu.vector_store %arg7[%swap3A_165, %swap3A_166], %dot_general3A_164 {strides = array<i32>} : memref<4096x64xf32, #tpu.memory_space<vmem>>, vector<256x64xf32>,
    %get3A_168 = arith.constant 1024 : index
    %get3A_169 = arith.constant 0 : index
    %get3A_170 = vector.load %arg1[%get3A_168, %get3A_169] : memref<4096x64xf32, #tpu.memory_space<vmem>>, vector<256x64xf32>
    %get3A_171 = arith.constant 64 : index
    %get3A_172 = arith.constant 0 : index
    %get3A_173 = vector.load %arg2[%get3A_171, %get3A_172] : memref<256x64xf32, #tpu.memory_space<vmem>>, vector<16x64xf32>
    %get3A_174 = arith.constant 1024 : index
    %get3A_175 = arith.constant 0 : index
    %get3A_176 = vector.load %arg3[%get3A_174, %get3A_175] : memref<4096x64xf32, #tpu.memory_space<vmem>>, vector<256x64xf32>
    %concatenate3A_177 = tpu.concatenate %get3A_173, %get3A_176 in 0 : vector<16x64xf32>, vector<256x64xf32> -> vector<272x64xf32>
    %get3A_178 = arith.constant 64 : index
    %get3A_179 = arith.constant 0 : index
    %get3A_180 = vector.load %arg4[%get3A_178, %get3A_179] : memref<256x64xf32, #tpu.memory_space<vmem>>, vector<16x64xf32>
    %get3A_181 = arith.constant 1024 : index
    %get3A_182 = arith.constant 0 : index
    %get3A_183 = vector.load %arg5[%get3A_181, %get3A_182] : memref<4096x64xf32, #tpu.memory_space<vmem>>, vector<256x64xf32>
    %concatenate3A_184 = tpu.concatenate %get3A_180, %get3A_183 in 0 : vector<16x64xf32>, vector<256x64xf32> -> vector<272x64xf32>
    %dot_general3A_185 = arith.constant dense<0.000000e+00> : vector<256x272xf32>
    %dot_general3A_186 = tpu.matmul %get3A_170, %concatenate3A_177, %dot_general3A_185 {dimension_numbers = #tpu.dot_dimension_numbers<[1], [1], [0], [0], [0, 0, 1, 0], [], []>, transpose_lhs_hint = false} : vector<256x64xf32>, vector<272x64xf32>, vector<256x272xf32> -> vector<256x272xf32>
    %mul3A_187 = arith.constant 1.250000e-01 : f32
    %mul3A_188 = vector.broadcast %mul3A_187 : f32 to vector<256x272xf32>
    %mul3A_189 = arith.mulf %dot_general3A_186, %mul3A_188 : vector<256x272xf32>
    %jit3A_190 = arith.constant -1.000000e+30 : f32
    %broadcast_in_dim3A_191 = vector.broadcast %jit3A_190 : f32 to vector<256x272xf32>
    %select_n3A_192 = arith.select %gt3A_3, %mul3A_189, %broadcast_in_dim3A_191 : vector<256x272xi1>, vector<256x272xf32>
    %reduce_max3A_193 = arith.constant dense<0xFF800000> : vector<256xf32>
    %reduce_max3A_194 = vector.multi_reduction <maximumf>, %select_n3A_192, %reduce_max3A_193 [1] : vector<256x272xf32> to vector<256xf32>
    %broadcast_in_dim3A_195 = vector.shape_cast %reduce_max3A_194 : vector<256xf32> to vector<256x1xf32>
    %sub3A_196 = vector.broadcast %broadcast_in_dim3A_195 : vector<256x1xf32> to vector<256x272xf32>
    %sub3A_197 = arith.subf %mul3A_189, %sub3A_196 : vector<256x272xf32>
    %exp3A_198 = math.exp %sub3A_197 : vector<256x272xf32>
    %jit3A_199 = arith.constant 0.000000e+00 : f32
    %broadcast_in_dim3A_200 = vector.broadcast %jit3A_199 : f32 to vector<256x272xf32>
    %select_n3A_201 = arith.select %gt3A_3, %exp3A_198, %broadcast_in_dim3A_200 : vector<256x272xi1>, vector<256x272xf32>
    %reduce_sum3A_202 = arith.constant dense<0.000000e+00> : vector<256xf32>
    %reduce_sum3A_203 = vector.multi_reduction <add>, %select_n3A_201, %reduce_sum3A_202 [1] : vector<256x272xf32> to vector<256xf32>
    %broadcast_in_dim3A_204 = vector.shape_cast %reduce_sum3A_203 : vector<256xf32> to vector<256x1xf32>
    %div3A_205 = vector.broadcast %broadcast_in_dim3A_204 : vector<256x1xf32> to vector<256x272xf32>
    %div3A_206 = arith.divf %select_n3A_201, %div3A_205 : vector<256x272xf32>
    %dot_general3A_207 = arith.constant dense<0.000000e+00> : vector<256x64xf32>
    %dot_general3A_208 = tpu.matmul %div3A_206, %concatenate3A_184, %dot_general3A_207 {dimension_numbers = #tpu.dot_dimension_numbers<[1], [0], [0], [1], [0, 0, 1, 1], [], []>, transpose_lhs_hint = false} : vector<256x272xf32>, vector<272x64xf32>, vector<256x64xf32> -> vector<256x64xf32>
    %swap3A_209 = arith.constant 1024 : index
    %swap3A_210 = arith.constant 0 : index
    %swap3A_211 = vector.load %arg7[%swap3A_209, %swap3A_210] : memref<4096x64xf32, #tpu.memory_space<vmem>>, vector<256x64xf32>
    tpu.vector_store %arg7[%swap3A_209, %swap3A_210], %dot_general3A_208 {strides = array<i32>} : memref<4096x64xf32, #tpu.memory_space<vmem>>, vector<256x64xf32>,
    %get3A_212 = arith.constant 1280 : index
    %get3A_213 = arith.constant 0 : index
    %get3A_214 = vector.load %arg1[%get3A_212, %get3A_213] : memref<4096x64xf32, #tpu.memory_space<vmem>>, vector<256x64xf32>
    %get3A_215 = arith.constant 80 : index
    %get3A_216 = arith.constant 0 : index
    %get3A_217 = vector.load %arg2[%get3A_215, %get3A_216] : memref<256x64xf32, #tpu.memory_space<vmem>>, vector<16x64xf32>
    %get3A_218 = arith.constant 1280 : index
    %get3A_219 = arith.constant 0 : index
    %get3A_220 = vector.load %arg3[%get3A_218, %get3A_219] : memref<4096x64xf32, #tpu.memory_space<vmem>>, vector<256x64xf32>
    %concatenate3A_221 = tpu.concatenate %get3A_217, %get3A_220 in 0 : vector<16x64xf32>, vector<256x64xf32> -> vector<272x64xf32>
    %get3A_222 = arith.constant 80 : index
    %get3A_223 = arith.constant 0 : index
    %get3A_224 = vector.load %arg4[%get3A_222, %get3A_223] : memref<256x64xf32, #tpu.memory_space<vmem>>, vector<16x64xf32>
    %get3A_225 = arith.constant 1280 : index
    %get3A_226 = arith.constant 0 : index
    %get3A_227 = vector.load %arg5[%get3A_225, %get3A_226] : memref<4096x64xf32, #tpu.memory_space<vmem>>, vector<256x64xf32>
    %concatenate3A_228 = tpu.concatenate %get3A_224, %get3A_227 in 0 : vector<16x64xf32>, vector<256x64xf32> -> vector<272x64xf32>
    %dot_general3A_229 = arith.constant dense<0.000000e+00> : vector<256x272xf32>
    %dot_general3A_230 = tpu.matmul %get3A_214, %concatenate3A_221, %dot_general3A_229 {dimension_numbers = #tpu.dot_dimension_numbers<[1], [1], [0], [0], [0, 0, 1, 0], [], []>, transpose_lhs_hint = false} : vector<256x64xf32>, vector<272x64xf32>, vector<256x272xf32> -> vector<256x272xf32>
    %mul3A_231 = arith.constant 1.250000e-01 : f32
    %mul3A_232 = vector.broadcast %mul3A_231 : f32 to vector<256x272xf32>
    %mul3A_233 = arith.mulf %dot_general3A_230, %mul3A_232 : vector<256x272xf32>
    %jit3A_234 = arith.constant -1.000000e+30 : f32
    %broadcast_in_dim3A_235 = vector.broadcast %jit3A_234 : f32 to vector<256x272xf32>
    %select_n3A_236 = arith.select %gt3A_3, %mul3A_233, %broadcast_in_dim3A_235 : vector<256x272xi1>, vector<256x272xf32>
    %reduce_max3A_237 = arith.constant dense<0xFF800000> : vector<256xf32>
    %reduce_max3A_238 = vector.multi_reduction <maximumf>, %select_n3A_236, %reduce_max3A_237 [1] : vector<256x272xf32> to vector<256xf32>
    %broadcast_in_dim3A_239 = vector.shape_cast %reduce_max3A_238 : vector<256xf32> to vector<256x1xf32>
    %sub3A_240 = vector.broadcast %broadcast_in_dim3A_239 : vector<256x1xf32> to vector<256x272xf32>
    %sub3A_241 = arith.subf %mul3A_233, %sub3A_240 : vector<256x272xf32>
    %exp3A_242 = math.exp %sub3A_241 : vector<256x272xf32>
    %jit3A_243 = arith.constant 0.000000e+00 : f32
    %broadcast_in_dim3A_244 = vector.broadcast %jit3A_243 : f32 to vector<256x272xf32>
    %select_n3A_245 = arith.select %gt3A_3, %exp3A_242, %broadcast_in_dim3A_244 : vector<256x272xi1>, vector<256x272xf32>
    %reduce_sum3A_246 = arith.constant dense<0.000000e+00> : vector<256xf32>
    %reduce_sum3A_247 = vector.multi_reduction <add>, %select_n3A_245, %reduce_sum3A_246 [1] : vector<256x272xf32> to vector<256xf32>
    %broadcast_in_dim3A_248 = vector.shape_cast %reduce_sum3A_247 : vector<256xf32> to vector<256x1xf32>
    %div3A_249 = vector.broadcast %broadcast_in_dim3A_248 : vector<256x1xf32> to vector<256x272xf32>
    %div3A_250 = arith.divf %select_n3A_245, %div3A_249 : vector<256x272xf32>
    %dot_general3A_251 = arith.constant dense<0.000000e+00> : vector<256x64xf32>
    %dot_general3A_252 = tpu.matmul %div3A_250, %concatenate3A_228, %dot_general3A_251 {dimension_numbers = #tpu.dot_dimension_numbers<[1], [0], [0], [1], [0, 0, 1, 1], [], []>, transpose_lhs_hint = false} : vector<256x272xf32>, vector<272x64xf32>, vector<256x64xf32> -> vector<256x64xf32>
    %swap3A_253 = arith.constant 1280 : index
    %swap3A_254 = arith.constant 0 : index
    %swap3A_255 = vector.load %arg7[%swap3A_253, %swap3A_254] : memref<4096x64xf32, #tpu.memory_space<vmem>>, vector<256x64xf32>
    tpu.vector_store %arg7[%swap3A_253, %swap3A_254], %dot_general3A_252 {strides = array<i32>} : memref<4096x64xf32, #tpu.memory_space<vmem>>, vector<256x64xf32>,
    %get3A_256 = arith.constant 1536 : index
    %get3A_257 = arith.constant 0 : index
    %get3A_258 = vector.load %arg1[%get3A_256, %get3A_257] : memref<4096x64xf32, #tpu.memory_space<vmem>>, vector<256x64xf32>
    %get3A_259 = arith.constant 96 : index
    %get3A_260 = arith.constant 0 : index
    %get3A_261 = vector.load %arg2[%get3A_259, %get3A_260] : memref<256x64xf32, #tpu.memory_space<vmem>>, vector<16x64xf32>
    %get3A_262 = arith.constant 1536 : index
    %get3A_263 = arith.constant 0 : index
    %get3A_264 = vector.load %arg3[%get3A_262, %get3A_263] : memref<4096x64xf32, #tpu.memory_space<vmem>>, vector<256x64xf32>
    %concatenate3A_265 = tpu.concatenate %get3A_261, %get3A_264 in 0 : vector<16x64xf32>, vector<256x64xf32> -> vector<272x64xf32>
    %get3A_266 = arith.constant 96 : index
    %get3A_267 = arith.constant 0 : index
    %get3A_268 = vector.load %arg4[%get3A_266, %get3A_267] : memref<256x64xf32, #tpu.memory_space<vmem>>, vector<16x64xf32>
    %get3A_269 = arith.constant 1536 : index
    %get3A_270 = arith.constant 0 : index
    %get3A_271 = vector.load %arg5[%get3A_269, %get3A_270] : memref<4096x64xf32, #tpu.memory_space<vmem>>, vector<256x64xf32>
    %concatenate3A_272 = tpu.concatenate %get3A_268, %get3A_271 in 0 : vector<16x64xf32>, vector<256x64xf32> -> vector<272x64xf32>
    %dot_general3A_273 = arith.constant dense<0.000000e+00> : vector<256x272xf32>
    %dot_general3A_274 = tpu.matmul %get3A_258, %concatenate3A_265, %dot_general3A_273 {dimension_numbers = #tpu.dot_dimension_numbers<[1], [1], [0], [0], [0, 0, 1, 0], [], []>, transpose_lhs_hint = false} : vector<256x64xf32>, vector<272x64xf32>, vector<256x272xf32> -> vector<256x272xf32>
    %mul3A_275 = arith.constant 1.250000e-01 : f32
    %mul3A_276 = vector.broadcast %mul3A_275 : f32 to vector<256x272xf32>
    %mul3A_277 = arith.mulf %dot_general3A_274, %mul3A_276 : vector<256x272xf32>
    %jit3A_278 = arith.constant -1.000000e+30 : f32
    %broadcast_in_dim3A_279 = vector.broadcast %jit3A_278 : f32 to vector<256x272xf32>
    %select_n3A_280 = arith.select %gt3A_3, %mul3A_277, %broadcast_in_dim3A_279 : vector<256x272xi1>, vector<256x272xf32>
    %reduce_max3A_281 = arith.constant dense<0xFF800000> : vector<256xf32>
    %reduce_max3A_282 = vector.multi_reduction <maximumf>, %select_n3A_280, %reduce_max3A_281 [1] : vector<256x272xf32> to vector<256xf32>
    %broadcast_in_dim3A_283 = vector.shape_cast %reduce_max3A_282 : vector<256xf32> to vector<256x1xf32>
    %sub3A_284 = vector.broadcast %broadcast_in_dim3A_283 : vector<256x1xf32> to vector<256x272xf32>
    %sub3A_285 = arith.subf %mul3A_277, %sub3A_284 : vector<256x272xf32>
    %exp3A_286 = math.exp %sub3A_285 : vector<256x272xf32>
    %jit3A_287 = arith.constant 0.000000e+00 : f32
    %broadcast_in_dim3A_288 = vector.broadcast %jit3A_287 : f32 to vector<256x272xf32>
    %select_n3A_289 = arith.select %gt3A_3, %exp3A_286, %broadcast_in_dim3A_288 : vector<256x272xi1>, vector<256x272xf32>
    %reduce_sum3A_290 = arith.constant dense<0.000000e+00> : vector<256xf32>
    %reduce_sum3A_291 = vector.multi_reduction <add>, %select_n3A_289, %reduce_sum3A_290 [1] : vector<256x272xf32> to vector<256xf32>
    %broadcast_in_dim3A_292 = vector.shape_cast %reduce_sum3A_291 : vector<256xf32> to vector<256x1xf32>
    %div3A_293 = vector.broadcast %broadcast_in_dim3A_292 : vector<256x1xf32> to vector<256x272xf32>
    %div3A_294 = arith.divf %select_n3A_289, %div3A_293 : vector<256x272xf32>
    %dot_general3A_295 = arith.constant dense<0.000000e+00> : vector<256x64xf32>
    %dot_general3A_296 = tpu.matmul %div3A_294, %concatenate3A_272, %dot_general3A_295 {dimension_numbers = #tpu.dot_dimension_numbers<[1], [0], [0], [1], [0, 0, 1, 1], [], []>, transpose_lhs_hint = false} : vector<256x272xf32>, vector<272x64xf32>, vector<256x64xf32> -> vector<256x64xf32>
    %swap3A_297 = arith.constant 1536 : index
    %swap3A_298 = arith.constant 0 : index
    %swap3A_299 = vector.load %arg7[%swap3A_297, %swap3A_298] : memref<4096x64xf32, #tpu.memory_space<vmem>>, vector<256x64xf32>
    tpu.vector_store %arg7[%swap3A_297, %swap3A_298], %dot_general3A_296 {strides = array<i32>} : memref<4096x64xf32, #tpu.memory_space<vmem>>, vector<256x64xf32>,
    %get3A_300 = arith.constant 1792 : index
    %get3A_301 = arith.constant 0 : index
    %get3A_302 = vector.load %arg1[%get3A_300, %get3A_301] : memref<4096x64xf32, #tpu.memory_space<vmem>>, vector<256x64xf32>
    %get3A_303 = arith.constant 112 : index
    %get3A_304 = arith.constant 0 : index
    %get3A_305 = vector.load %arg2[%get3A_303, %get3A_304] : memref<256x64xf32, #tpu.memory_space<vmem>>, vector<16x64xf32>
    %get3A_306 = arith.constant 1792 : index
    %get3A_307 = arith.constant 0 : index
    %get3A_308 = vector.load %arg3[%get3A_306, %get3A_307] : memref<4096x64xf32, #tpu.memory_space<vmem>>, vector<256x64xf32>
    %concatenate3A_309 = tpu.concatenate %get3A_305, %get3A_308 in 0 : vector<16x64xf32>, vector<256x64xf32> -> vector<272x64xf32>
    %get3A_310 = arith.constant 112 : index
    %get3A_311 = arith.constant 0 : index
    %get3A_312 = vector.load %arg4[%get3A_310, %get3A_311] : memref<256x64xf32, #tpu.memory_space<vmem>>, vector<16x64xf32>
    %get3A_313 = arith.constant 1792 : index
    %get3A_314 = arith.constant 0 : index
    %get3A_315 = vector.load %arg5[%get3A_313, %get3A_314] : memref<4096x64xf32, #tpu.memory_space<vmem>>, vector<256x64xf32>
    %concatenate3A_316 = tpu.concatenate %get3A_312, %get3A_315 in 0 : vector<16x64xf32>, vector<256x64xf32> -> vector<272x64xf32>
    %dot_general3A_317 = arith.constant dense<0.000000e+00> : vector<256x272xf32>
    %dot_general3A_318 = tpu.matmul %get3A_302, %concatenate3A_309, %dot_general3A_317 {dimension_numbers = #tpu.dot_dimension_numbers<[1], [1], [0], [0], [0, 0, 1, 0], [], []>, transpose_lhs_hint = false} : vector<256x64xf32>, vector<272x64xf32>, vector<256x272xf32> -> vector<256x272xf32>
    %mul3A_319 = arith.constant 1.250000e-01 : f32
    %mul3A_320 = vector.broadcast %mul3A_319 : f32 to vector<256x272xf32>
    %mul3A_321 = arith.mulf %dot_general3A_318, %mul3A_320 : vector<256x272xf32>
    %jit3A_322 = arith.constant -1.000000e+30 : f32
    %broadcast_in_dim3A_323 = vector.broadcast %jit3A_322 : f32 to vector<256x272xf32>
    %select_n3A_324 = arith.select %gt3A_3, %mul3A_321, %broadcast_in_dim3A_323 : vector<256x272xi1>, vector<256x272xf32>
    %reduce_max3A_325 = arith.constant dense<0xFF800000> : vector<256xf32>
    %reduce_max3A_326 = vector.multi_reduction <maximumf>, %select_n3A_324, %reduce_max3A_325 [1] : vector<256x272xf32> to vector<256xf32>
    %broadcast_in_dim3A_327 = vector.shape_cast %reduce_max3A_326 : vector<256xf32> to vector<256x1xf32>
    %sub3A_328 = vector.broadcast %broadcast_in_dim3A_327 : vector<256x1xf32> to vector<256x272xf32>
    %sub3A_329 = arith.subf %mul3A_321, %sub3A_328 : vector<256x272xf32>
    %exp3A_330 = math.exp %sub3A_329 : vector<256x272xf32>
    %jit3A_331 = arith.constant 0.000000e+00 : f32
    %broadcast_in_dim3A_332 = vector.broadcast %jit3A_331 : f32 to vector<256x272xf32>
    %select_n3A_333 = arith.select %gt3A_3, %exp3A_330, %broadcast_in_dim3A_332 : vector<256x272xi1>, vector<256x272xf32>
    %reduce_sum3A_334 = arith.constant dense<0.000000e+00> : vector<256xf32>
    %reduce_sum3A_335 = vector.multi_reduction <add>, %select_n3A_333, %reduce_sum3A_334 [1] : vector<256x272xf32> to vector<256xf32>
    %broadcast_in_dim3A_336 = vector.shape_cast %reduce_sum3A_335 : vector<256xf32> to vector<256x1xf32>
    %div3A_337 = vector.broadcast %broadcast_in_dim3A_336 : vector<256x1xf32> to vector<256x272xf32>
    %div3A_338 = arith.divf %select_n3A_333, %div3A_337 : vector<256x272xf32>
    %dot_general3A_339 = arith.constant dense<0.000000e+00> : vector<256x64xf32>
    %dot_general3A_340 = tpu.matmul %div3A_338, %concatenate3A_316, %dot_general3A_339 {dimension_numbers = #tpu.dot_dimension_numbers<[1], [0], [0], [1], [0, 0, 1, 1], [], []>, transpose_lhs_hint = false} : vector<256x272xf32>, vector<272x64xf32>, vector<256x64xf32> -> vector<256x64xf32>
    %swap3A_341 = arith.constant 1792 : index
    %swap3A_342 = arith.constant 0 : index
    %swap3A_343 = vector.load %arg7[%swap3A_341, %swap3A_342] : memref<4096x64xf32, #tpu.memory_space<vmem>>, vector<256x64xf32>
    tpu.vector_store %arg7[%swap3A_341, %swap3A_342], %dot_general3A_340 {strides = array<i32>} : memref<4096x64xf32, #tpu.memory_space<vmem>>, vector<256x64xf32>,
    %get3A_344 = arith.constant 2048 : index
    %get3A_345 = arith.constant 0 : index
    %get3A_346 = vector.load %arg1[%get3A_344, %get3A_345] : memref<4096x64xf32, #tpu.memory_space<vmem>>, vector<256x64xf32>
    %get3A_347 = arith.constant 128 : index
    %get3A_348 = arith.constant 0 : index
    %get3A_349 = vector.load %arg2[%get3A_347, %get3A_348] : memref<256x64xf32, #tpu.memory_space<vmem>>, vector<16x64xf32>
    %get3A_350 = arith.constant 2048 : index
    %get3A_351 = arith.constant 0 : index
    %get3A_352 = vector.load %arg3[%get3A_350, %get3A_351] : memref<4096x64xf32, #tpu.memory_space<vmem>>, vector<256x64xf32>
    %concatenate3A_353 = tpu.concatenate %get3A_349, %get3A_352 in 0 : vector<16x64xf32>, vector<256x64xf32> -> vector<272x64xf32>
    %get3A_354 = arith.constant 128 : index
    %get3A_355 = arith.constant 0 : index
    %get3A_356 = vector.load %arg4[%get3A_354, %get3A_355] : memref<256x64xf32, #tpu.memory_space<vmem>>, vector<16x64xf32>
    %get3A_357 = arith.constant 2048 : index
    %get3A_358 = arith.constant 0 : index
    %get3A_359 = vector.load %arg5[%get3A_357, %get3A_358] : memref<4096x64xf32, #tpu.memory_space<vmem>>, vector<256x64xf32>
    %concatenate3A_360 = tpu.concatenate %get3A_356, %get3A_359 in 0 : vector<16x64xf32>, vector<256x64xf32> -> vector<272x64xf32>
    %dot_general3A_361 = arith.constant dense<0.000000e+00> : vector<256x272xf32>
    %dot_general3A_362 = tpu.matmul %get3A_346, %concatenate3A_353, %dot_general3A_361 {dimension_numbers = #tpu.dot_dimension_numbers<[1], [1], [0], [0], [0, 0, 1, 0], [], []>, transpose_lhs_hint = false} : vector<256x64xf32>, vector<272x64xf32>, vector<256x272xf32> -> vector<256x272xf32>
    %mul3A_363 = arith.constant 1.250000e-01 : f32
    %mul3A_364 = vector.broadcast %mul3A_363 : f32 to vector<256x272xf32>
    %mul3A_365 = arith.mulf %dot_general3A_362, %mul3A_364 : vector<256x272xf32>
    %jit3A_366 = arith.constant -1.000000e+30 : f32
    %broadcast_in_dim3A_367 = vector.broadcast %jit3A_366 : f32 to vector<256x272xf32>
    %select_n3A_368 = arith.select %gt3A_3, %mul3A_365, %broadcast_in_dim3A_367 : vector<256x272xi1>, vector<256x272xf32>
    %reduce_max3A_369 = arith.constant dense<0xFF800000> : vector<256xf32>
    %reduce_max3A_370 = vector.multi_reduction <maximumf>, %select_n3A_368, %reduce_max3A_369 [1] : vector<256x272xf32> to vector<256xf32>
    %broadcast_in_dim3A_371 = vector.shape_cast %reduce_max3A_370 : vector<256xf32> to vector<256x1xf32>
    %sub3A_372 = vector.broadcast %broadcast_in_dim3A_371 : vector<256x1xf32> to vector<256x272xf32>
    %sub3A_373 = arith.subf %mul3A_365, %sub3A_372 : vector<256x272xf32>
    %exp3A_374 = math.exp %sub3A_373 : vector<256x272xf32>
    %jit3A_375 = arith.constant 0.000000e+00 : f32
    %broadcast_in_dim3A_376 = vector.broadcast %jit3A_375 : f32 to vector<256x272xf32>
    %select_n3A_377 = arith.select %gt3A_3, %exp3A_374, %broadcast_in_dim3A_376 : vector<256x272xi1>, vector<256x272xf32>
    %reduce_sum3A_378 = arith.constant dense<0.000000e+00> : vector<256xf32>
    %reduce_sum3A_379 = vector.multi_reduction <add>, %select_n3A_377, %reduce_sum3A_378 [1] : vector<256x272xf32> to vector<256xf32>
    %broadcast_in_dim3A_380 = vector.shape_cast %reduce_sum3A_379 : vector<256xf32> to vector<256x1xf32>
    %div3A_381 = vector.broadcast %broadcast_in_dim3A_380 : vector<256x1xf32> to vector<256x272xf32>
    %div3A_382 = arith.divf %select_n3A_377, %div3A_381 : vector<256x272xf32>
    %dot_general3A_383 = arith.constant dense<0.000000e+00> : vector<256x64xf32>
    %dot_general3A_384 = tpu.matmul %div3A_382, %concatenate3A_360, %dot_general3A_383 {dimension_numbers = #tpu.dot_dimension_numbers<[1], [0], [0], [1], [0, 0, 1, 1], [], []>, transpose_lhs_hint = false} : vector<256x272xf32>, vector<272x64xf32>, vector<256x64xf32> -> vector<256x64xf32>
    %swap3A_385 = arith.constant 2048 : index
    %swap3A_386 = arith.constant 0 : index
    %swap3A_387 = vector.load %arg7[%swap3A_385, %swap3A_386] : memref<4096x64xf32, #tpu.memory_space<vmem>>, vector<256x64xf32>
    tpu.vector_store %arg7[%swap3A_385, %swap3A_386], %dot_general3A_384 {strides = array<i32>} : memref<4096x64xf32, #tpu.memory_space<vmem>>, vector<256x64xf32>,
    %get3A_388 = arith.constant 2304 : index
    %get3A_389 = arith.constant 0 : index
    %get3A_390 = vector.load %arg1[%get3A_388, %get3A_389] : memref<4096x64xf32, #tpu.memory_space<vmem>>, vector<256x64xf32>
    %get3A_391 = arith.constant 144 : index
    %get3A_392 = arith.constant 0 : index
    %get3A_393 = vector.load %arg2[%get3A_391, %get3A_392] : memref<256x64xf32, #tpu.memory_space<vmem>>, vector<16x64xf32>
    %get3A_394 = arith.constant 2304 : index
    %get3A_395 = arith.constant 0 : index
    %get3A_396 = vector.load %arg3[%get3A_394, %get3A_395] : memref<4096x64xf32, #tpu.memory_space<vmem>>, vector<256x64xf32>
    %concatenate3A_397 = tpu.concatenate %get3A_393, %get3A_396 in 0 : vector<16x64xf32>, vector<256x64xf32> -> vector<272x64xf32>
    %get3A_398 = arith.constant 144 : index
    %get3A_399 = arith.constant 0 : index
    %get3A_400 = vector.load %arg4[%get3A_398, %get3A_399] : memref<256x64xf32, #tpu.memory_space<vmem>>, vector<16x64xf32>
    %get3A_401 = arith.constant 2304 : index
    %get3A_402 = arith.constant 0 : index
    %get3A_403 = vector.load %arg5[%get3A_401, %get3A_402] : memref<4096x64xf32, #tpu.memory_space<vmem>>, vector<256x64xf32>
    %concatenate3A_404 = tpu.concatenate %get3A_400, %get3A_403 in 0 : vector<16x64xf32>, vector<256x64xf32> -> vector<272x64xf32>
    %dot_general3A_405 = arith.constant dense<0.000000e+00> : vector<256x272xf32>
    %dot_general3A_406 = tpu.matmul %get3A_390, %concatenate3A_397, %dot_general3A_405 {dimension_numbers = #tpu.dot_dimension_numbers<[1], [1], [0], [0], [0, 0, 1, 0], [], []>, transpose_lhs_hint = false} : vector<256x64xf32>, vector<272x64xf32>, vector<256x272xf32> -> vector<256x272xf32>
    %mul3A_407 = arith.constant 1.250000e-01 : f32
    %mul3A_408 = vector.broadcast %mul3A_407 : f32 to vector<256x272xf32>
    %mul3A_409 = arith.mulf %dot_general3A_406, %mul3A_408 : vector<256x272xf32>
    %jit3A_410 = arith.constant -1.000000e+30 : f32
    %broadcast_in_dim3A_411 = vector.broadcast %jit3A_410 : f32 to vector<256x272xf32>
    %select_n3A_412 = arith.select %gt3A_3, %mul3A_409, %broadcast_in_dim3A_411 : vector<256x272xi1>, vector<256x272xf32>
    %reduce_max3A_413 = arith.constant dense<0xFF800000> : vector<256xf32>
    %reduce_max3A_414 = vector.multi_reduction <maximumf>, %select_n3A_412, %reduce_max3A_413 [1] : vector<256x272xf32> to vector<256xf32>
    %broadcast_in_dim3A_415 = vector.shape_cast %reduce_max3A_414 : vector<256xf32> to vector<256x1xf32>
    %sub3A_416 = vector.broadcast %broadcast_in_dim3A_415 : vector<256x1xf32> to vector<256x272xf32>
    %sub3A_417 = arith.subf %mul3A_409, %sub3A_416 : vector<256x272xf32>
    %exp3A_418 = math.exp %sub3A_417 : vector<256x272xf32>
    %jit3A_419 = arith.constant 0.000000e+00 : f32
    %broadcast_in_dim3A_420 = vector.broadcast %jit3A_419 : f32 to vector<256x272xf32>
    %select_n3A_421 = arith.select %gt3A_3, %exp3A_418, %broadcast_in_dim3A_420 : vector<256x272xi1>, vector<256x272xf32>
    %reduce_sum3A_422 = arith.constant dense<0.000000e+00> : vector<256xf32>
    %reduce_sum3A_423 = vector.multi_reduction <add>, %select_n3A_421, %reduce_sum3A_422 [1] : vector<256x272xf32> to vector<256xf32>
    %broadcast_in_dim3A_424 = vector.shape_cast %reduce_sum3A_423 : vector<256xf32> to vector<256x1xf32>
    %div3A_425 = vector.broadcast %broadcast_in_dim3A_424 : vector<256x1xf32> to vector<256x272xf32>
    %div3A_426 = arith.divf %select_n3A_421, %div3A_425 : vector<256x272xf32>
    %dot_general3A_427 = arith.constant dense<0.000000e+00> : vector<256x64xf32>
    %dot_general3A_428 = tpu.matmul %div3A_426, %concatenate3A_404, %dot_general3A_427 {dimension_numbers = #tpu.dot_dimension_numbers<[1], [0], [0], [1], [0, 0, 1, 1], [], []>, transpose_lhs_hint = false} : vector<256x272xf32>, vector<272x64xf32>, vector<256x64xf32> -> vector<256x64xf32>
    %swap3A_429 = arith.constant 2304 : index
    %swap3A_430 = arith.constant 0 : index
    %swap3A_431 = vector.load %arg7[%swap3A_429, %swap3A_430] : memref<4096x64xf32, #tpu.memory_space<vmem>>, vector<256x64xf32>
    tpu.vector_store %arg7[%swap3A_429, %swap3A_430], %dot_general3A_428 {strides = array<i32>} : memref<4096x64xf32, #tpu.memory_space<vmem>>, vector<256x64xf32>,
    %get3A_432 = arith.constant 2560 : index
    %get3A_433 = arith.constant 0 : index
    %get3A_434 = vector.load %arg1[%get3A_432, %get3A_433] : memref<4096x64xf32, #tpu.memory_space<vmem>>, vector<256x64xf32>
    %get3A_435 = arith.constant 160 : index
    %get3A_436 = arith.constant 0 : index
    %get3A_437 = vector.load %arg2[%get3A_435, %get3A_436] : memref<256x64xf32, #tpu.memory_space<vmem>>, vector<16x64xf32>
    %get3A_438 = arith.constant 2560 : index
    %get3A_439 = arith.constant 0 : index
    %get3A_440 = vector.load %arg3[%get3A_438, %get3A_439] : memref<4096x64xf32, #tpu.memory_space<vmem>>, vector<256x64xf32>
    %concatenate3A_441 = tpu.concatenate %get3A_437, %get3A_440 in 0 : vector<16x64xf32>, vector<256x64xf32> -> vector<272x64xf32>
    %get3A_442 = arith.constant 160 : index
    %get3A_443 = arith.constant 0 : index
    %get3A_444 = vector.load %arg4[%get3A_442, %get3A_443] : memref<256x64xf32, #tpu.memory_space<vmem>>, vector<16x64xf32>
    %get3A_445 = arith.constant 2560 : index
    %get3A_446 = arith.constant 0 : index
    %get3A_447 = vector.load %arg5[%get3A_445, %get3A_446] : memref<4096x64xf32, #tpu.memory_space<vmem>>, vector<256x64xf32>
    %concatenate3A_448 = tpu.concatenate %get3A_444, %get3A_447 in 0 : vector<16x64xf32>, vector<256x64xf32> -> vector<272x64xf32>
    %dot_general3A_449 = arith.constant dense<0.000000e+00> : vector<256x272xf32>
    %dot_general3A_450 = tpu.matmul %get3A_434, %concatenate3A_441, %dot_general3A_449 {dimension_numbers = #tpu.dot_dimension_numbers<[1], [1], [0], [0], [0, 0, 1, 0], [], []>, transpose_lhs_hint = false} : vector<256x64xf32>, vector<272x64xf32>, vector<256x272xf32> -> vector<256x272xf32>
    %mul3A_451 = arith.constant 1.250000e-01 : f32
    %mul3A_452 = vector.broadcast %mul3A_451 : f32 to vector<256x272xf32>
    %mul3A_453 = arith.mulf %dot_general3A_450, %mul3A_452 : vector<256x272xf32>
    %jit3A_454 = arith.constant -1.000000e+30 : f32
    %broadcast_in_dim3A_455 = vector.broadcast %jit3A_454 : f32 to vector<256x272xf32>
    %select_n3A_456 = arith.select %gt3A_3, %mul3A_453, %broadcast_in_dim3A_455 : vector<256x272xi1>, vector<256x272xf32>
    %reduce_max3A_457 = arith.constant dense<0xFF800000> : vector<256xf32>
    %reduce_max3A_458 = vector.multi_reduction <maximumf>, %select_n3A_456, %reduce_max3A_457 [1] : vector<256x272xf32> to vector<256xf32>
    %broadcast_in_dim3A_459 = vector.shape_cast %reduce_max3A_458 : vector<256xf32> to vector<256x1xf32>
    %sub3A_460 = vector.broadcast %broadcast_in_dim3A_459 : vector<256x1xf32> to vector<256x272xf32>
    %sub3A_461 = arith.subf %mul3A_453, %sub3A_460 : vector<256x272xf32>
    %exp3A_462 = math.exp %sub3A_461 : vector<256x272xf32>
    %jit3A_463 = arith.constant 0.000000e+00 : f32
    %broadcast_in_dim3A_464 = vector.broadcast %jit3A_463 : f32 to vector<256x272xf32>
    %select_n3A_465 = arith.select %gt3A_3, %exp3A_462, %broadcast_in_dim3A_464 : vector<256x272xi1>, vector<256x272xf32>
    %reduce_sum3A_466 = arith.constant dense<0.000000e+00> : vector<256xf32>
    %reduce_sum3A_467 = vector.multi_reduction <add>, %select_n3A_465, %reduce_sum3A_466 [1] : vector<256x272xf32> to vector<256xf32>
    %broadcast_in_dim3A_468 = vector.shape_cast %reduce_sum3A_467 : vector<256xf32> to vector<256x1xf32>
    %div3A_469 = vector.broadcast %broadcast_in_dim3A_468 : vector<256x1xf32> to vector<256x272xf32>
    %div3A_470 = arith.divf %select_n3A_465, %div3A_469 : vector<256x272xf32>
    %dot_general3A_471 = arith.constant dense<0.000000e+00> : vector<256x64xf32>
    %dot_general3A_472 = tpu.matmul %div3A_470, %concatenate3A_448, %dot_general3A_471 {dimension_numbers = #tpu.dot_dimension_numbers<[1], [0], [0], [1], [0, 0, 1, 1], [], []>, transpose_lhs_hint = false} : vector<256x272xf32>, vector<272x64xf32>, vector<256x64xf32> -> vector<256x64xf32>
    %swap3A_473 = arith.constant 2560 : index
    %swap3A_474 = arith.constant 0 : index
    %swap3A_475 = vector.load %arg7[%swap3A_473, %swap3A_474] : memref<4096x64xf32, #tpu.memory_space<vmem>>, vector<256x64xf32>
    tpu.vector_store %arg7[%swap3A_473, %swap3A_474], %dot_general3A_472 {strides = array<i32>} : memref<4096x64xf32, #tpu.memory_space<vmem>>, vector<256x64xf32>,
    %get3A_476 = arith.constant 2816 : index
    %get3A_477 = arith.constant 0 : index
    %get3A_478 = vector.load %arg1[%get3A_476, %get3A_477] : memref<4096x64xf32, #tpu.memory_space<vmem>>, vector<256x64xf32>
    %get3A_479 = arith.constant 176 : index
    %get3A_480 = arith.constant 0 : index
    %get3A_481 = vector.load %arg2[%get3A_479, %get3A_480] : memref<256x64xf32, #tpu.memory_space<vmem>>, vector<16x64xf32>
    %get3A_482 = arith.constant 2816 : index
    %get3A_483 = arith.constant 0 : index
    %get3A_484 = vector.load %arg3[%get3A_482, %get3A_483] : memref<4096x64xf32, #tpu.memory_space<vmem>>, vector<256x64xf32>
    %concatenate3A_485 = tpu.concatenate %get3A_481, %get3A_484 in 0 : vector<16x64xf32>, vector<256x64xf32> -> vector<272x64xf32>
    %get3A_486 = arith.constant 176 : index
    %get3A_487 = arith.constant 0 : index
    %get3A_488 = vector.load %arg4[%get3A_486, %get3A_487] : memref<256x64xf32, #tpu.memory_space<vmem>>, vector<16x64xf32>
    %get3A_489 = arith.constant 2816 : index
    %get3A_490 = arith.constant 0 : index
    %get3A_491 = vector.load %arg5[%get3A_489, %get3A_490] : memref<4096x64xf32, #tpu.memory_space<vmem>>, vector<256x64xf32>
    %concatenate3A_492 = tpu.concatenate %get3A_488, %get3A_491 in 0 : vector<16x64xf32>, vector<256x64xf32> -> vector<272x64xf32>
    %dot_general3A_493 = arith.constant dense<0.000000e+00> : vector<256x272xf32>
    %dot_general3A_494 = tpu.matmul %get3A_478, %concatenate3A_485, %dot_general3A_493 {dimension_numbers = #tpu.dot_dimension_numbers<[1], [1], [0], [0], [0, 0, 1, 0], [], []>, transpose_lhs_hint = false} : vector<256x64xf32>, vector<272x64xf32>, vector<256x272xf32> -> vector<256x272xf32>
    %mul3A_495 = arith.constant 1.250000e-01 : f32
    %mul3A_496 = vector.broadcast %mul3A_495 : f32 to vector<256x272xf32>
    %mul3A_497 = arith.mulf %dot_general3A_494, %mul3A_496 : vector<256x272xf32>
    %jit3A_498 = arith.constant -1.000000e+30 : f32
    %broadcast_in_dim3A_499 = vector.broadcast %jit3A_498 : f32 to vector<256x272xf32>
    %select_n3A_500 = arith.select %gt3A_3, %mul3A_497, %broadcast_in_dim3A_499 : vector<256x272xi1>, vector<256x272xf32>
    %reduce_max3A_501 = arith.constant dense<0xFF800000> : vector<256xf32>
    %reduce_max3A_502 = vector.multi_reduction <maximumf>, %select_n3A_500, %reduce_max3A_501 [1] : vector<256x272xf32> to vector<256xf32>
    %broadcast_in_dim3A_503 = vector.shape_cast %reduce_max3A_502 : vector<256xf32> to vector<256x1xf32>
    %sub3A_504 = vector.broadcast %broadcast_in_dim3A_503 : vector<256x1xf32> to vector<256x272xf32>
    %sub3A_505 = arith.subf %mul3A_497, %sub3A_504 : vector<256x272xf32>
    %exp3A_506 = math.exp %sub3A_505 : vector<256x272xf32>
    %jit3A_507 = arith.constant 0.000000e+00 : f32
    %broadcast_in_dim3A_508 = vector.broadcast %jit3A_507 : f32 to vector<256x272xf32>
    %select_n3A_509 = arith.select %gt3A_3, %exp3A_506, %broadcast_in_dim3A_508 : vector<256x272xi1>, vector<256x272xf32>
    %reduce_sum3A_510 = arith.constant dense<0.000000e+00> : vector<256xf32>
    %reduce_sum3A_511 = vector.multi_reduction <add>, %select_n3A_509, %reduce_sum3A_510 [1] : vector<256x272xf32> to vector<256xf32>
    %broadcast_in_dim3A_512 = vector.shape_cast %reduce_sum3A_511 : vector<256xf32> to vector<256x1xf32>
    %div3A_513 = vector.broadcast %broadcast_in_dim3A_512 : vector<256x1xf32> to vector<256x272xf32>
    %div3A_514 = arith.divf %select_n3A_509, %div3A_513 : vector<256x272xf32>
    %dot_general3A_515 = arith.constant dense<0.000000e+00> : vector<256x64xf32>
    %dot_general3A_516 = tpu.matmul %div3A_514, %concatenate3A_492, %dot_general3A_515 {dimension_numbers = #tpu.dot_dimension_numbers<[1], [0], [0], [1], [0, 0, 1, 1], [], []>, transpose_lhs_hint = false} : vector<256x272xf32>, vector<272x64xf32>, vector<256x64xf32> -> vector<256x64xf32>
    %swap3A_517 = arith.constant 2816 : index
    %swap3A_518 = arith.constant 0 : index
    %swap3A_519 = vector.load %arg7[%swap3A_517, %swap3A_518] : memref<4096x64xf32, #tpu.memory_space<vmem>>, vector<256x64xf32>
    tpu.vector_store %arg7[%swap3A_517, %swap3A_518], %dot_general3A_516 {strides = array<i32>} : memref<4096x64xf32, #tpu.memory_space<vmem>>, vector<256x64xf32>,
    %get3A_520 = arith.constant 3072 : index
    %get3A_521 = arith.constant 0 : index
    %get3A_522 = vector.load %arg1[%get3A_520, %get3A_521] : memref<4096x64xf32, #tpu.memory_space<vmem>>, vector<256x64xf32>
    %get3A_523 = arith.constant 192 : index
    %get3A_524 = arith.constant 0 : index
    %get3A_525 = vector.load %arg2[%get3A_523, %get3A_524] : memref<256x64xf32, #tpu.memory_space<vmem>>, vector<16x64xf32>
    %get3A_526 = arith.constant 3072 : index
    %get3A_527 = arith.constant 0 : index
    %get3A_528 = vector.load %arg3[%get3A_526, %get3A_527] : memref<4096x64xf32, #tpu.memory_space<vmem>>, vector<256x64xf32>
    %concatenate3A_529 = tpu.concatenate %get3A_525, %get3A_528 in 0 : vector<16x64xf32>, vector<256x64xf32> -> vector<272x64xf32>
    %get3A_530 = arith.constant 192 : index
    %get3A_531 = arith.constant 0 : index
    %get3A_532 = vector.load %arg4[%get3A_530, %get3A_531] : memref<256x64xf32, #tpu.memory_space<vmem>>, vector<16x64xf32>
    %get3A_533 = arith.constant 3072 : index
    %get3A_534 = arith.constant 0 : index
    %get3A_535 = vector.load %arg5[%get3A_533, %get3A_534] : memref<4096x64xf32, #tpu.memory_space<vmem>>, vector<256x64xf32>
    %concatenate3A_536 = tpu.concatenate %get3A_532, %get3A_535 in 0 : vector<16x64xf32>, vector<256x64xf32> -> vector<272x64xf32>
    %dot_general3A_537 = arith.constant dense<0.000000e+00> : vector<256x272xf32>
    %dot_general3A_538 = tpu.matmul %get3A_522, %concatenate3A_529, %dot_general3A_537 {dimension_numbers = #tpu.dot_dimension_numbers<[1], [1], [0], [0], [0, 0, 1, 0], [], []>, transpose_lhs_hint = false} : vector<256x64xf32>, vector<272x64xf32>, vector<256x272xf32> -> vector<256x272xf32>
    %mul3A_539 = arith.constant 1.250000e-01 : f32
    %mul3A_540 = vector.broadcast %mul3A_539 : f32 to vector<256x272xf32>
    %mul3A_541 = arith.mulf %dot_general3A_538, %mul3A_540 : vector<256x272xf32>
    %jit3A_542 = arith.constant -1.000000e+30 : f32
    %broadcast_in_dim3A_543 = vector.broadcast %jit3A_542 : f32 to vector<256x272xf32>
    %select_n3A_544 = arith.select %gt3A_3, %mul3A_541, %broadcast_in_dim3A_543 : vector<256x272xi1>, vector<256x272xf32>
    %reduce_max3A_545 = arith.constant dense<0xFF800000> : vector<256xf32>
    %reduce_max3A_546 = vector.multi_reduction <maximumf>, %select_n3A_544, %reduce_max3A_545 [1] : vector<256x272xf32> to vector<256xf32>
    %broadcast_in_dim3A_547 = vector.shape_cast %reduce_max3A_546 : vector<256xf32> to vector<256x1xf32>
    %sub3A_548 = vector.broadcast %broadcast_in_dim3A_547 : vector<256x1xf32> to vector<256x272xf32>
    %sub3A_549 = arith.subf %mul3A_541, %sub3A_548 : vector<256x272xf32>
    %exp3A_550 = math.exp %sub3A_549 : vector<256x272xf32>
    %jit3A_551 = arith.constant 0.000000e+00 : f32
    %broadcast_in_dim3A_552 = vector.broadcast %jit3A_551 : f32 to vector<256x272xf32>
    %select_n3A_553 = arith.select %gt3A_3, %exp3A_550, %broadcast_in_dim3A_552 : vector<256x272xi1>, vector<256x272xf32>
    %reduce_sum3A_554 = arith.constant dense<0.000000e+00> : vector<256xf32>
    %reduce_sum3A_555 = vector.multi_reduction <add>, %select_n3A_553, %reduce_sum3A_554 [1] : vector<256x272xf32> to vector<256xf32>
    %broadcast_in_dim3A_556 = vector.shape_cast %reduce_sum3A_555 : vector<256xf32> to vector<256x1xf32>
    %div3A_557 = vector.broadcast %broadcast_in_dim3A_556 : vector<256x1xf32> to vector<256x272xf32>
    %div3A_558 = arith.divf %select_n3A_553, %div3A_557 : vector<256x272xf32>
    %dot_general3A_559 = arith.constant dense<0.000000e+00> : vector<256x64xf32>
    %dot_general3A_560 = tpu.matmul %div3A_558, %concatenate3A_536, %dot_general3A_559 {dimension_numbers = #tpu.dot_dimension_numbers<[1], [0], [0], [1], [0, 0, 1, 1], [], []>, transpose_lhs_hint = false} : vector<256x272xf32>, vector<272x64xf32>, vector<256x64xf32> -> vector<256x64xf32>
    %swap3A_561 = arith.constant 3072 : index
    %swap3A_562 = arith.constant 0 : index
    %swap3A_563 = vector.load %arg7[%swap3A_561, %swap3A_562] : memref<4096x64xf32, #tpu.memory_space<vmem>>, vector<256x64xf32>
    tpu.vector_store %arg7[%swap3A_561, %swap3A_562], %dot_general3A_560 {strides = array<i32>} : memref<4096x64xf32, #tpu.memory_space<vmem>>, vector<256x64xf32>,
    %get3A_564 = arith.constant 3328 : index
    %get3A_565 = arith.constant 0 : index
    %get3A_566 = vector.load %arg1[%get3A_564, %get3A_565] : memref<4096x64xf32, #tpu.memory_space<vmem>>, vector<256x64xf32>
    %get3A_567 = arith.constant 208 : index
    %get3A_568 = arith.constant 0 : index
    %get3A_569 = vector.load %arg2[%get3A_567, %get3A_568] : memref<256x64xf32, #tpu.memory_space<vmem>>, vector<16x64xf32>
    %get3A_570 = arith.constant 3328 : index
    %get3A_571 = arith.constant 0 : index
    %get3A_572 = vector.load %arg3[%get3A_570, %get3A_571] : memref<4096x64xf32, #tpu.memory_space<vmem>>, vector<256x64xf32>
    %concatenate3A_573 = tpu.concatenate %get3A_569, %get3A_572 in 0 : vector<16x64xf32>, vector<256x64xf32> -> vector<272x64xf32>
    %get3A_574 = arith.constant 208 : index
    %get3A_575 = arith.constant 0 : index
    %get3A_576 = vector.load %arg4[%get3A_574, %get3A_575] : memref<256x64xf32, #tpu.memory_space<vmem>>, vector<16x64xf32>
    %get3A_577 = arith.constant 3328 : index
    %get3A_578 = arith.constant 0 : index
    %get3A_579 = vector.load %arg5[%get3A_577, %get3A_578] : memref<4096x64xf32, #tpu.memory_space<vmem>>, vector<256x64xf32>
    %concatenate3A_580 = tpu.concatenate %get3A_576, %get3A_579 in 0 : vector<16x64xf32>, vector<256x64xf32> -> vector<272x64xf32>
    %dot_general3A_581 = arith.constant dense<0.000000e+00> : vector<256x272xf32>
    %dot_general3A_582 = tpu.matmul %get3A_566, %concatenate3A_573, %dot_general3A_581 {dimension_numbers = #tpu.dot_dimension_numbers<[1], [1], [0], [0], [0, 0, 1, 0], [], []>, transpose_lhs_hint = false} : vector<256x64xf32>, vector<272x64xf32>, vector<256x272xf32> -> vector<256x272xf32>
    %mul3A_583 = arith.constant 1.250000e-01 : f32
    %mul3A_584 = vector.broadcast %mul3A_583 : f32 to vector<256x272xf32>
    %mul3A_585 = arith.mulf %dot_general3A_582, %mul3A_584 : vector<256x272xf32>
    %jit3A_586 = arith.constant -1.000000e+30 : f32
    %broadcast_in_dim3A_587 = vector.broadcast %jit3A_586 : f32 to vector<256x272xf32>
    %select_n3A_588 = arith.select %gt3A_3, %mul3A_585, %broadcast_in_dim3A_587 : vector<256x272xi1>, vector<256x272xf32>
    %reduce_max3A_589 = arith.constant dense<0xFF800000> : vector<256xf32>
    %reduce_max3A_590 = vector.multi_reduction <maximumf>, %select_n3A_588, %reduce_max3A_589 [1] : vector<256x272xf32> to vector<256xf32>
    %broadcast_in_dim3A_591 = vector.shape_cast %reduce_max3A_590 : vector<256xf32> to vector<256x1xf32>
    %sub3A_592 = vector.broadcast %broadcast_in_dim3A_591 : vector<256x1xf32> to vector<256x272xf32>
    %sub3A_593 = arith.subf %mul3A_585, %sub3A_592 : vector<256x272xf32>
    %exp3A_594 = math.exp %sub3A_593 : vector<256x272xf32>
    %jit3A_595 = arith.constant 0.000000e+00 : f32
    %broadcast_in_dim3A_596 = vector.broadcast %jit3A_595 : f32 to vector<256x272xf32>
    %select_n3A_597 = arith.select %gt3A_3, %exp3A_594, %broadcast_in_dim3A_596 : vector<256x272xi1>, vector<256x272xf32>
    %reduce_sum3A_598 = arith.constant dense<0.000000e+00> : vector<256xf32>
    %reduce_sum3A_599 = vector.multi_reduction <add>, %select_n3A_597, %reduce_sum3A_598 [1] : vector<256x272xf32> to vector<256xf32>
    %broadcast_in_dim3A_600 = vector.shape_cast %reduce_sum3A_599 : vector<256xf32> to vector<256x1xf32>
    %div3A_601 = vector.broadcast %broadcast_in_dim3A_600 : vector<256x1xf32> to vector<256x272xf32>
    %div3A_602 = arith.divf %select_n3A_597, %div3A_601 : vector<256x272xf32>
    %dot_general3A_603 = arith.constant dense<0.000000e+00> : vector<256x64xf32>
    %dot_general3A_604 = tpu.matmul %div3A_602, %concatenate3A_580, %dot_general3A_603 {dimension_numbers = #tpu.dot_dimension_numbers<[1], [0], [0], [1], [0, 0, 1, 1], [], []>, transpose_lhs_hint = false} : vector<256x272xf32>, vector<272x64xf32>, vector<256x64xf32> -> vector<256x64xf32>
    %swap3A_605 = arith.constant 3328 : index
    %swap3A_606 = arith.constant 0 : index
    %swap3A_607 = vector.load %arg7[%swap3A_605, %swap3A_606] : memref<4096x64xf32, #tpu.memory_space<vmem>>, vector<256x64xf32>
    tpu.vector_store %arg7[%swap3A_605, %swap3A_606], %dot_general3A_604 {strides = array<i32>} : memref<4096x64xf32, #tpu.memory_space<vmem>>, vector<256x64xf32>,
    %get3A_608 = arith.constant 3584 : index
    %get3A_609 = arith.constant 0 : index
    %get3A_610 = vector.load %arg1[%get3A_608, %get3A_609] : memref<4096x64xf32, #tpu.memory_space<vmem>>, vector<256x64xf32>
    %get3A_611 = arith.constant 224 : index
    %get3A_612 = arith.constant 0 : index
    %get3A_613 = vector.load %arg2[%get3A_611, %get3A_612] : memref<256x64xf32, #tpu.memory_space<vmem>>, vector<16x64xf32>
    %get3A_614 = arith.constant 3584 : index
    %get3A_615 = arith.constant 0 : index
    %get3A_616 = vector.load %arg3[%get3A_614, %get3A_615] : memref<4096x64xf32, #tpu.memory_space<vmem>>, vector<256x64xf32>
    %concatenate3A_617 = tpu.concatenate %get3A_613, %get3A_616 in 0 : vector<16x64xf32>, vector<256x64xf32> -> vector<272x64xf32>
    %get3A_618 = arith.constant 224 : index
    %get3A_619 = arith.constant 0 : index
    %get3A_620 = vector.load %arg4[%get3A_618, %get3A_619] : memref<256x64xf32, #tpu.memory_space<vmem>>, vector<16x64xf32>
    %get3A_621 = arith.constant 3584 : index
    %get3A_622 = arith.constant 0 : index
    %get3A_623 = vector.load %arg5[%get3A_621, %get3A_622] : memref<4096x64xf32, #tpu.memory_space<vmem>>, vector<256x64xf32>
    %concatenate3A_624 = tpu.concatenate %get3A_620, %get3A_623 in 0 : vector<16x64xf32>, vector<256x64xf32> -> vector<272x64xf32>
    %dot_general3A_625 = arith.constant dense<0.000000e+00> : vector<256x272xf32>
    %dot_general3A_626 = tpu.matmul %get3A_610, %concatenate3A_617, %dot_general3A_625 {dimension_numbers = #tpu.dot_dimension_numbers<[1], [1], [0], [0], [0, 0, 1, 0], [], []>, transpose_lhs_hint = false} : vector<256x64xf32>, vector<272x64xf32>, vector<256x272xf32> -> vector<256x272xf32>
    %mul3A_627 = arith.constant 1.250000e-01 : f32
    %mul3A_628 = vector.broadcast %mul3A_627 : f32 to vector<256x272xf32>
    %mul3A_629 = arith.mulf %dot_general3A_626, %mul3A_628 : vector<256x272xf32>
    %jit3A_630 = arith.constant -1.000000e+30 : f32
    %broadcast_in_dim3A_631 = vector.broadcast %jit3A_630 : f32 to vector<256x272xf32>
    %select_n3A_632 = arith.select %gt3A_3, %mul3A_629, %broadcast_in_dim3A_631 : vector<256x272xi1>, vector<256x272xf32>
    %reduce_max3A_633 = arith.constant dense<0xFF800000> : vector<256xf32>
    %reduce_max3A_634 = vector.multi_reduction <maximumf>, %select_n3A_632, %reduce_max3A_633 [1] : vector<256x272xf32> to vector<256xf32>
    %broadcast_in_dim3A_635 = vector.shape_cast %reduce_max3A_634 : vector<256xf32> to vector<256x1xf32>
    %sub3A_636 = vector.broadcast %broadcast_in_dim3A_635 : vector<256x1xf32> to vector<256x272xf32>
    %sub3A_637 = arith.subf %mul3A_629, %sub3A_636 : vector<256x272xf32>
    %exp3A_638 = math.exp %sub3A_637 : vector<256x272xf32>
    %jit3A_639 = arith.constant 0.000000e+00 : f32
    %broadcast_in_dim3A_640 = vector.broadcast %jit3A_639 : f32 to vector<256x272xf32>
    %select_n3A_641 = arith.select %gt3A_3, %exp3A_638, %broadcast_in_dim3A_640 : vector<256x272xi1>, vector<256x272xf32>
    %reduce_sum3A_642 = arith.constant dense<0.000000e+00> : vector<256xf32>
    %reduce_sum3A_643 = vector.multi_reduction <add>, %select_n3A_641, %reduce_sum3A_642 [1] : vector<256x272xf32> to vector<256xf32>
    %broadcast_in_dim3A_644 = vector.shape_cast %reduce_sum3A_643 : vector<256xf32> to vector<256x1xf32>
    %div3A_645 = vector.broadcast %broadcast_in_dim3A_644 : vector<256x1xf32> to vector<256x272xf32>
    %div3A_646 = arith.divf %select_n3A_641, %div3A_645 : vector<256x272xf32>
    %dot_general3A_647 = arith.constant dense<0.000000e+00> : vector<256x64xf32>
    %dot_general3A_648 = tpu.matmul %div3A_646, %concatenate3A_624, %dot_general3A_647 {dimension_numbers = #tpu.dot_dimension_numbers<[1], [0], [0], [1], [0, 0, 1, 1], [], []>, transpose_lhs_hint = false} : vector<256x272xf32>, vector<272x64xf32>, vector<256x64xf32> -> vector<256x64xf32>
    %swap3A_649 = arith.constant 3584 : index
    %swap3A_650 = arith.constant 0 : index
    %swap3A_651 = vector.load %arg7[%swap3A_649, %swap3A_650] : memref<4096x64xf32, #tpu.memory_space<vmem>>, vector<256x64xf32>
    tpu.vector_store %arg7[%swap3A_649, %swap3A_650], %dot_general3A_648 {strides = array<i32>} : memref<4096x64xf32, #tpu.memory_space<vmem>>, vector<256x64xf32>,
    %get3A_652 = arith.constant 3840 : index
    %get3A_653 = arith.constant 0 : index
    %get3A_654 = vector.load %arg1[%get3A_652, %get3A_653] : memref<4096x64xf32, #tpu.memory_space<vmem>>, vector<256x64xf32>
    %get3A_655 = arith.constant 240 : index
    %get3A_656 = arith.constant 0 : index
    %get3A_657 = vector.load %arg2[%get3A_655, %get3A_656] : memref<256x64xf32, #tpu.memory_space<vmem>>, vector<16x64xf32>
    %get3A_658 = arith.constant 3840 : index
    %get3A_659 = arith.constant 0 : index
    %get3A_660 = vector.load %arg3[%get3A_658, %get3A_659] : memref<4096x64xf32, #tpu.memory_space<vmem>>, vector<256x64xf32>
    %concatenate3A_661 = tpu.concatenate %get3A_657, %get3A_660 in 0 : vector<16x64xf32>, vector<256x64xf32> -> vector<272x64xf32>
    %get3A_662 = arith.constant 240 : index
    %get3A_663 = arith.constant 0 : index
    %get3A_664 = vector.load %arg4[%get3A_662, %get3A_663] : memref<256x64xf32, #tpu.memory_space<vmem>>, vector<16x64xf32>
    %get3A_665 = arith.constant 3840 : index
    %get3A_666 = arith.constant 0 : index
    %get3A_667 = vector.load %arg5[%get3A_665, %get3A_666] : memref<4096x64xf32, #tpu.memory_space<vmem>>, vector<256x64xf32>
    %concatenate3A_668 = tpu.concatenate %get3A_664, %get3A_667 in 0 : vector<16x64xf32>, vector<256x64xf32> -> vector<272x64xf32>
    %dot_general3A_669 = arith.constant dense<0.000000e+00> : vector<256x272xf32>
    %dot_general3A_670 = tpu.matmul %get3A_654, %concatenate3A_661, %dot_general3A_669 {dimension_numbers = #tpu.dot_dimension_numbers<[1], [1], [0], [0], [0, 0, 1, 0], [], []>, transpose_lhs_hint = false} : vector<256x64xf32>, vector<272x64xf32>, vector<256x272xf32> -> vector<256x272xf32>
    %mul3A_671 = arith.constant 1.250000e-01 : f32
    %mul3A_672 = vector.broadcast %mul3A_671 : f32 to vector<256x272xf32>
    %mul3A_673 = arith.mulf %dot_general3A_670, %mul3A_672 : vector<256x272xf32>
    %jit3A_674 = arith.constant -1.000000e+30 : f32
    %broadcast_in_dim3A_675 = vector.broadcast %jit3A_674 : f32 to vector<256x272xf32>
    %select_n3A_676 = arith.select %gt3A_3, %mul3A_673, %broadcast_in_dim3A_675 : vector<256x272xi1>, vector<256x272xf32>
    %reduce_max3A_677 = arith.constant dense<0xFF800000> : vector<256xf32>
    %reduce_max3A_678 = vector.multi_reduction <maximumf>, %select_n3A_676, %reduce_max3A_677 [1] : vector<256x272xf32> to vector<256xf32>
    %broadcast_in_dim3A_679 = vector.shape_cast %reduce_max3A_678 : vector<256xf32> to vector<256x1xf32>
    %sub3A_680 = vector.broadcast %broadcast_in_dim3A_679 : vector<256x1xf32> to vector<256x272xf32>
    %sub3A_681 = arith.subf %mul3A_673, %sub3A_680 : vector<256x272xf32>
    %exp3A_682 = math.exp %sub3A_681 : vector<256x272xf32>
    %jit3A_683 = arith.constant 0.000000e+00 : f32
    %broadcast_in_dim3A_684 = vector.broadcast %jit3A_683 : f32 to vector<256x272xf32>
    %select_n3A_685 = arith.select %gt3A_3, %exp3A_682, %broadcast_in_dim3A_684 : vector<256x272xi1>, vector<256x272xf32>
    %reduce_sum3A_686 = arith.constant dense<0.000000e+00> : vector<256xf32>
    %reduce_sum3A_687 = vector.multi_reduction <add>, %select_n3A_685, %reduce_sum3A_686 [1] : vector<256x272xf32> to vector<256xf32>
    %broadcast_in_dim3A_688 = vector.shape_cast %reduce_sum3A_687 : vector<256xf32> to vector<256x1xf32>
    %div3A_689 = vector.broadcast %broadcast_in_dim3A_688 : vector<256x1xf32> to vector<256x272xf32>
    %div3A_690 = arith.divf %select_n3A_685, %div3A_689 : vector<256x272xf32>
    %dot_general3A_691 = arith.constant dense<0.000000e+00> : vector<256x64xf32>
    %dot_general3A_692 = tpu.matmul %div3A_690, %concatenate3A_668, %dot_general3A_691 {dimension_numbers = #tpu.dot_dimension_numbers<[1], [0], [0], [1], [0, 0, 1, 1], [], []>, transpose_lhs_hint = false} : vector<256x272xf32>, vector<272x64xf32>, vector<256x64xf32> -> vector<256x64xf32>
    %swap3A_693 = arith.constant 3840 : index
    %swap3A_694 = arith.constant 0 : index
    %swap3A_695 = vector.load %arg7[%swap3A_693, %swap3A_694] : memref<4096x64xf32, #tpu.memory_space<vmem>>, vector<256x64xf32>
    tpu.vector_store %arg7[%swap3A_693, %swap3A_694], %dot_general3A_692 {strides = array<i32>} : memref<4096x64xf32, #tpu.memory_space<vmem>>, vector<256x64xf32>,
    return
  }
  func.func @transform_0(%arg0: i32) -> (i32, i32) {
    %c0_i32 = arith.constant 0 : i32
    %c0_i32_0 = arith.constant 0 : i32
    return %arg0, %c0_i32 : i32, i32
  }
  func.func @transform_1(%arg0: i32) -> (i32, i32) {
    %c0_i32 = arith.constant 0 : i32
    %c0_i32_0 = arith.constant 0 : i32
    return %arg0, %c0_i32 : i32, i32
  }
  func.func @transform_2(%arg0: i32) -> (i32, i32) {
    %c0_i32 = arith.constant 0 : i32
    %c0_i32_0 = arith.constant 0 : i32
    return %arg0, %c0_i32 : i32, i32
  }
  func.func @transform_3(%arg0: i32) -> (i32, i32) {
    %c0_i32 = arith.constant 0 : i32
    %c0_i32_0 = arith.constant 0 : i32
    return %arg0, %c0_i32 : i32, i32
  }
  func.func @transform_4(%arg0: i32) -> (i32, i32) {
    %c0_i32 = arith.constant 0 : i32
    %c0_i32_0 = arith.constant 0 : i32
    return %arg0, %c0_i32 : i32, i32
  }
  func.func @transform_5(%arg0: i32) -> (i32, i32) {
    %c0_i32 = arith.constant 0 : i32
    %c0_i32_0 = arith.constant 0 : i32
    %c0_i32_1 = arith.constant 0 : i32
    return %c0_i32, %c0_i32_0 : i32, i32
  }
  func.func @transform_6(%arg0: i32) -> (i32, i32) {
    %c0_i32 = arith.constant 0 : i32
    %c0_i32_0 = arith.constant 0 : i32
    return %arg0, %c0_i32 : i32, i32
  }
}

module attributes {stable_mosaic.version = 14 : i64} {
  func.func @_mlp_kernel(%arg0: i32, %arg1: memref<8x1024xf32, #tpu.memory_space<vmem>>, %arg2: memref<8x1024xf32, #tpu.memory_space<vmem>>, %arg3: memref<128x8xf32, #tpu.memory_space<vmem>>, %arg4: memref<120x128xf32, #tpu.memory_space<vmem>>, %arg5: memref<128x1024xf32, #tpu.memory_space<vmem>>, %arg6: memref<1024x1024xf32, #tpu.memory_space<vmem>>, %arg7: memref<1024x2048xf32, #tpu.memory_space<vmem>>, %arg8: memref<2048x1024xf32, #tpu.memory_space<vmem>>, %arg9: memref<120x1024xf32, #tpu.memory_space<vmem>>) attributes {dimension_semantics = [#tpu.dimension_semantics<arbitrary>], iteration_bounds = array<i64: 16>, scalar_prefetch = 0 : i64, scratch_operands = 0 : i64, tpu.core_type = #tpu.core_type<tc>, window_params = [{transform_indices = @transform_0, window_bounds = array<i64: 8, 1024>}, {transform_indices = @transform_1, window_bounds = array<i64: 8, 1024>}, {pipeline_mode = #tpu.pipeline_mode<synchronous>, transform_indices = @transform_2, window_bounds = array<i64: 128, 8>}, {pipeline_mode = #tpu.pipeline_mode<synchronous>, transform_indices = @transform_3, window_bounds = array<i64: 120, 128>}, {transform_indices = @transform_4, window_bounds = array<i64: 128, 1024>}, {pipeline_mode = #tpu.pipeline_mode<synchronous>, transform_indices = @transform_5, window_bounds = array<i64: 1024, 1024>}, {pipeline_mode = #tpu.pipeline_mode<synchronous>, transform_indices = @transform_6, window_bounds = array<i64: 1024, 2048>}, {pipeline_mode = #tpu.pipeline_mode<synchronous>, transform_indices = @transform_7, window_bounds = array<i64: 2048, 1024>}, {transform_indices = @transform_8, window_bounds = array<i64: 120, 1024>}]} {
    %iota3A = tpu.iota {dimensions = array<i32: 0>} : vector<128x1024xi32>
    %jit3A = arith.constant 16 : i32
    %eq3A = arith.constant 0 : i32
    %eq3A_0 = arith.cmpi eq, %jit3A, %eq3A : i32
    %jit3A_1 = arith.constant 1 : i32
    %select_n3A = arith.select %eq3A_0, %jit3A_1, %jit3A : i32
    %rem3A = vector.broadcast %select_n3A : i32 to vector<128x1024xi32>
    %rem3A_2 = arith.remsi %iota3A, %rem3A : vector<128x1024xi32>
    %ne3A = arith.constant 0 : i32
    %ne3A_3 = vector.broadcast %ne3A : i32 to vector<128x1024xi32>
    %ne3A_4 = arith.cmpi ne, %rem3A_2, %ne3A_3 : vector<128x1024xi32>
    %lt3A = arith.constant 0 : i32
    %lt3A_5 = vector.broadcast %lt3A : i32 to vector<128x1024xi32>
    %lt3A_6 = arith.cmpi slt, %rem3A_2, %lt3A_5 : vector<128x1024xi32>
    %lt3A_7 = arith.constant 0 : i32
    %lt3A_8 = arith.cmpi slt, %select_n3A, %lt3A_7 : i32
    %ne3A_9 = vector.broadcast %lt3A_8 : i1 to vector<128x1024xi1>
    %ne3A_10 = vector.broadcast %ne3A_9 : vector<128x1024xi1> to vector<128x1024xi1>
    %ne3A_11 = arith.xori %lt3A_6, %ne3A_10 : vector<128x1024xi1>
    %and3A = arith.andi %ne3A_11, %ne3A_4 : vector<128x1024xi1>
    %add3A = vector.broadcast %select_n3A : i32 to vector<128x1024xi32>
    %add3A_12 = arith.addi %rem3A_2, %add3A : vector<128x1024xi32>
    %select_n3A_13 = arith.select %and3A, %add3A_12, %rem3A_2 : vector<128x1024xi1>, vector<128x1024xi32>
    %eq3A_14 = arith.constant 0 : i32
    %eq3A_15 = vector.broadcast %eq3A_14 : i32 to vector<128x1024xi32>
    %eq3A_16 = arith.cmpi eq, %select_n3A_13, %eq3A_15 : vector<128x1024xi32>
    %get3A = arith.constant 0 : index
    %get3A_17 = arith.constant 0 : index
    %get3A_18 = vector.load %arg3[%get3A, %get3A_17] : memref<128x8xf32, #tpu.memory_space<vmem>>, vector<128x8xf32>
    %get3A_19 = arith.constant 0 : index
    %get3A_20 = arith.constant 0 : index
    %get3A_21 = vector.load %arg1[%get3A_19, %get3A_20] : memref<8x1024xf32, #tpu.memory_space<vmem>>, vector<8x1024xf32>
    %dot_general3A = arith.constant dense<0.000000e+00> : vector<128x1024xf32>
    %dot_general3A_22 = tpu.matmul %get3A_18, %get3A_21, %dot_general3A {dimension_numbers = #tpu.dot_dimension_numbers<[1], [0], [0], [1], [0, 0, 1, 1], [], []>, transpose_lhs_hint = false} : vector<128x8xf32>, vector<8x1024xf32>, vector<128x1024xf32> -> vector<128x1024xf32>
    %get3A_23 = arith.constant 0 : index
    %get3A_24 = arith.constant 0 : index
    %get3A_25 = vector.load %arg2[%get3A_23, %get3A_24] : memref<8x1024xf32, #tpu.memory_space<vmem>>, vector<1x1024xf32>
    %broadcast_in_dim3A = vector.shape_cast %get3A_25 : vector<1x1024xf32> to vector<1x1024xf32>
    %broadcast_in_dim3A_26 = vector.broadcast %broadcast_in_dim3A : vector<1x1024xf32> to vector<128x1024xf32>
    %select_n3A_27 = arith.select %eq3A_16, %dot_general3A_22, %broadcast_in_dim3A_26 : vector<128x1024xi1>, vector<128x1024xf32>
    %get3A_28 = arith.constant 0 : index
    %get3A_29 = arith.constant 0 : index
    %get3A_30 = vector.load %arg5[%get3A_28, %get3A_29] : memref<128x1024xf32, #tpu.memory_space<vmem>>, vector<128x1024xf32>
    %get3A_31 = arith.constant 0 : index
    %get3A_32 = arith.constant 0 : index
    %get3A_33 = vector.load %arg6[%get3A_31, %get3A_32] : memref<1024x1024xf32, #tpu.memory_space<vmem>>, vector<1024x1024xf32>
    %dot_general3A_34 = arith.constant dense<0.000000e+00> : vector<128x1024xf32>
    %dot_general3A_35 = tpu.matmul %get3A_30, %get3A_33, %dot_general3A_34 {dimension_numbers = #tpu.dot_dimension_numbers<[1], [0], [0], [1], [0, 0, 1, 1], [], []>, transpose_lhs_hint = false} : vector<128x1024xf32>, vector<1024x1024xf32>, vector<128x1024xf32> -> vector<128x1024xf32>
    %add3A_36 = arith.addf %select_n3A_27, %dot_general3A_35 : vector<128x1024xf32>
    %get3A_37 = arith.constant 0 : index
    %get3A_38 = arith.constant 0 : index
    %get3A_39 = vector.load %arg7[%get3A_37, %get3A_38] : memref<1024x2048xf32, #tpu.memory_space<vmem>>, vector<1024x2048xf32>
    %dot_general3A_40 = arith.constant dense<0.000000e+00> : vector<128x2048xf32>
    %dot_general3A_41 = tpu.matmul %add3A_36, %get3A_39, %dot_general3A_40 {dimension_numbers = #tpu.dot_dimension_numbers<[1], [0], [0], [1], [0, 0, 1, 1], [], []>, transpose_lhs_hint = false} : vector<128x1024xf32>, vector<1024x2048xf32>, vector<128x2048xf32> -> vector<128x2048xf32>
    %integer_pow3A = arith.mulf %dot_general3A_41, %dot_general3A_41 : vector<128x2048xf32>
    %integer_pow3A_42 = arith.mulf %dot_general3A_41, %integer_pow3A : vector<128x2048xf32>
    %mul3A = arith.constant 4.471500e-02 : f32
    %mul3A_43 = vector.broadcast %mul3A : f32 to vector<128x2048xf32>
    %mul3A_44 = arith.mulf %mul3A_43, %integer_pow3A_42 : vector<128x2048xf32>
    %add3A_45 = arith.addf %dot_general3A_41, %mul3A_44 : vector<128x2048xf32>
    %mul3A_46 = arith.constant 0.797884583 : f32
    %mul3A_47 = vector.broadcast %mul3A_46 : f32 to vector<128x2048xf32>
    %mul3A_48 = arith.mulf %mul3A_47, %add3A_45 : vector<128x2048xf32>
    %tanh3A = math.tanh %mul3A_48 : vector<128x2048xf32>
    %add3A_49 = arith.constant 1.000000e+00 : f32
    %add3A_50 = vector.broadcast %add3A_49 : f32 to vector<128x2048xf32>
    %add3A_51 = arith.addf %add3A_50, %tanh3A : vector<128x2048xf32>
    %mul3A_52 = arith.constant 5.000000e-01 : f32
    %mul3A_53 = vector.broadcast %mul3A_52 : f32 to vector<128x2048xf32>
    %mul3A_54 = arith.mulf %mul3A_53, %add3A_51 : vector<128x2048xf32>
    %mul3A_55 = arith.mulf %dot_general3A_41, %mul3A_54 : vector<128x2048xf32>
    %get3A_56 = arith.constant 0 : index
    %get3A_57 = arith.constant 0 : index
    %get3A_58 = vector.load %arg8[%get3A_56, %get3A_57] : memref<2048x1024xf32, #tpu.memory_space<vmem>>, vector<2048x1024xf32>
    %dot_general3A_59 = arith.constant dense<0.000000e+00> : vector<128x1024xf32>
    %dot_general3A_60 = tpu.matmul %mul3A_55, %get3A_58, %dot_general3A_59 {dimension_numbers = #tpu.dot_dimension_numbers<[1], [0], [0], [1], [0, 0, 1, 1], [], []>, transpose_lhs_hint = false} : vector<128x2048xf32>, vector<2048x1024xf32>, vector<128x1024xf32> -> vector<128x1024xf32>
    %add3A_61 = arith.addf %add3A_36, %dot_general3A_60 : vector<128x1024xf32>
    %get3A_62 = arith.constant 0 : index
    %get3A_63 = arith.constant 0 : index
    %get3A_64 = vector.load %arg4[%get3A_62, %get3A_63] : memref<120x128xf32, #tpu.memory_space<vmem>>, vector<120x128xf32>
    %dot_general3A_65 = arith.constant dense<0.000000e+00> : vector<120x1024xf32>
    %dot_general3A_66 = tpu.matmul %get3A_64, %add3A_61, %dot_general3A_65 {dimension_numbers = #tpu.dot_dimension_numbers<[1], [0], [0], [1], [0, 0, 1, 1], [], []>, transpose_lhs_hint = false} : vector<120x128xf32>, vector<128x1024xf32>, vector<120x1024xf32> -> vector<120x1024xf32>
    %swap3A = arith.constant 0 : index
    %swap3A_67 = arith.constant 0 : index
    %swap3A_68 = vector.load %arg9[%swap3A, %swap3A_67] : memref<120x1024xf32, #tpu.memory_space<vmem>>, vector<120x1024xf32>
    tpu.vector_store %arg9[%swap3A, %swap3A_67], %dot_general3A_66 {strides = array<i32>} : memref<120x1024xf32, #tpu.memory_space<vmem>>, vector<120x1024xf32>,
    return
  }
  func.func @transform_0(%arg0: i32) -> (i32, i32) {
    %add3A = arith.constant 16 : i32
    %add3A_0 = arith.addi %add3A, %arg0 : i32
    %c0_i32 = arith.constant 0 : i32
    %c0_i32_1 = arith.constant 0 : i32
    return %add3A_0, %c0_i32 : i32, i32
  }
  func.func @transform_1(%arg0: i32) -> (i32, i32) {
    %c32_i32 = arith.constant 32 : i32
    %c0_i32 = arith.constant 0 : i32
    %c0_i32_0 = arith.constant 0 : i32
    return %c32_i32, %c0_i32 : i32, i32
  }
  func.func @transform_2(%arg0: i32) -> (i32, i32) {
    %c0_i32 = arith.constant 0 : i32
    %c0_i32_0 = arith.constant 0 : i32
    %c0_i32_1 = arith.constant 0 : i32
    return %c0_i32, %c0_i32_0 : i32, i32
  }
  func.func @transform_3(%arg0: i32) -> (i32, i32) {
    %c0_i32 = arith.constant 0 : i32
    %c0_i32_0 = arith.constant 0 : i32
    %c0_i32_1 = arith.constant 0 : i32
    return %c0_i32, %c0_i32_0 : i32, i32
  }
  func.func @transform_4(%arg0: i32) -> (i32, i32) {
    %c0_i32 = arith.constant 0 : i32
    %c0_i32_0 = arith.constant 0 : i32
    return %arg0, %c0_i32 : i32, i32
  }
  func.func @transform_5(%arg0: i32) -> (i32, i32) {
    %c0_i32 = arith.constant 0 : i32
    %c0_i32_0 = arith.constant 0 : i32
    %c0_i32_1 = arith.constant 0 : i32
    return %c0_i32, %c0_i32_0 : i32, i32
  }
  func.func @transform_6(%arg0: i32) -> (i32, i32) {
    %c0_i32 = arith.constant 0 : i32
    %c0_i32_0 = arith.constant 0 : i32
    %c0_i32_1 = arith.constant 0 : i32
    return %c0_i32, %c0_i32_0 : i32, i32
  }
  func.func @transform_7(%arg0: i32) -> (i32, i32) {
    %c0_i32 = arith.constant 0 : i32
    %c0_i32_0 = arith.constant 0 : i32
    %c0_i32_1 = arith.constant 0 : i32
    return %c0_i32, %c0_i32_0 : i32, i32
  }
  func.func @transform_8(%arg0: i32) -> (i32, i32) {
    %c0_i32 = arith.constant 0 : i32
    %c0_i32_0 = arith.constant 0 : i32
    return %arg0, %c0_i32 : i32, i32
  }
}

module attributes {stable_mosaic.version = 14 : i64} {
  func.func @_ce_kernel(%arg0: i32, %arg1: memref<1920x1024xf32, #tpu.memory_space<vmem>>, %arg2: memref<1024x1280xf32, #tpu.memory_space<vmem>>, %arg3: memref<1920x1xi32, #tpu.memory_space<vmem>>, %arg4: memref<1920x1xf32, #tpu.memory_space<vmem>>, %arg5: memref<1x1xf32, #tpu.memory_space<smem>>, %arg6: memref<1x1xf32, #tpu.memory_space<smem>>, %arg7: memref<1920x1xf32, #tpu.memory_space<vmem>>, %arg8: memref<1920x1xf32, #tpu.memory_space<vmem>>, %arg9: memref<1920x1xf32, #tpu.memory_space<vmem>>, %arg10: memref<1920x1xf32, #tpu.memory_space<vmem>>, %arg11: memref<1920x1xi32, #tpu.memory_space<vmem>>) attributes {dimension_semantics = [#tpu.dimension_semantics<arbitrary>], iteration_bounds = array<i64: 25>, scalar_prefetch = 0 : i64, scratch_operands = 5 : i64, tpu.core_type = #tpu.core_type<tc>, window_params = [{pipeline_mode = #tpu.pipeline_mode<synchronous>, transform_indices = @transform_0, window_bounds = array<i64: 1920, 1024>}, {transform_indices = @transform_1, window_bounds = array<i64: 1024, 1280>}, {pipeline_mode = #tpu.pipeline_mode<synchronous>, transform_indices = @transform_2, window_bounds = array<i64: 1920, 1>}, {pipeline_mode = #tpu.pipeline_mode<synchronous>, transform_indices = @transform_3, window_bounds = array<i64: 1920, 1>}, {transform_indices = @transform_4, window_bounds = array<i64: 1, 1>}, {transform_indices = @transform_5, window_bounds = array<i64: 1, 1>}]} {
    %eq3A = arith.constant 0 : i32
    %eq3A_0 = arith.cmpi eq, %arg0, %eq3A : i32
    %convert_element_type3A = arith.extui %eq3A_0 : i1 to i32
    %cond3A = arith.constant 0 : i32
    %cond3A_1 = arith.cmpi ne, %convert_element_type3A, %cond3A : i32
    scf.if %cond3A_1 {
      %broadcast_in_dim3A_77 = arith.constant -1.000000e+30 : f32
      %broadcast_in_dim3A_78 = vector.broadcast %broadcast_in_dim3A_77 : f32 to vector<1920x1xf32>
      %swap3A_79 = arith.constant 0 : index
      %swap3A_80 = arith.constant 0 : index
      %swap3A_81 = vector.load %arg7[%swap3A_79, %swap3A_80] : memref<1920x1xf32, #tpu.memory_space<vmem>>, vector<1920x1xf32>
      tpu.vector_store %arg7[%swap3A_79, %swap3A_80], %broadcast_in_dim3A_78 {strides = array<i32>} : memref<1920x1xf32, #tpu.memory_space<vmem>>, vector<1920x1xf32>,
      %broadcast_in_dim3A_82 = arith.constant 0.000000e+00 : f32
      %broadcast_in_dim3A_83 = vector.broadcast %broadcast_in_dim3A_82 : f32 to vector<1920x1xf32>
      %swap3A_84 = arith.constant 0 : index
      %swap3A_85 = arith.constant 0 : index
      %swap3A_86 = vector.load %arg8[%swap3A_84, %swap3A_85] : memref<1920x1xf32, #tpu.memory_space<vmem>>, vector<1920x1xf32>
      tpu.vector_store %arg8[%swap3A_84, %swap3A_85], %broadcast_in_dim3A_83 {strides = array<i32>} : memref<1920x1xf32, #tpu.memory_space<vmem>>, vector<1920x1xf32>,
      %broadcast_in_dim3A_87 = arith.constant 0.000000e+00 : f32
      %broadcast_in_dim3A_88 = vector.broadcast %broadcast_in_dim3A_87 : f32 to vector<1920x1xf32>
      %swap3A_89 = arith.constant 0 : index
      %swap3A_90 = arith.constant 0 : index
      %swap3A_91 = vector.load %arg9[%swap3A_89, %swap3A_90] : memref<1920x1xf32, #tpu.memory_space<vmem>>, vector<1920x1xf32>
      tpu.vector_store %arg9[%swap3A_89, %swap3A_90], %broadcast_in_dim3A_88 {strides = array<i32>} : memref<1920x1xf32, #tpu.memory_space<vmem>>, vector<1920x1xf32>,
      %broadcast_in_dim3A_92 = arith.constant -1.000000e+30 : f32
      %broadcast_in_dim3A_93 = vector.broadcast %broadcast_in_dim3A_92 : f32 to vector<1920x1xf32>
      %swap3A_94 = arith.constant 0 : index
      %swap3A_95 = arith.constant 0 : index
      %swap3A_96 = vector.load %arg10[%swap3A_94, %swap3A_95] : memref<1920x1xf32, #tpu.memory_space<vmem>>, vector<1920x1xf32>
      tpu.vector_store %arg10[%swap3A_94, %swap3A_95], %broadcast_in_dim3A_93 {strides = array<i32>} : memref<1920x1xf32, #tpu.memory_space<vmem>>, vector<1920x1xf32>,
      %broadcast_in_dim3A_97 = arith.constant 0 : i32
      %broadcast_in_dim3A_98 = vector.broadcast %broadcast_in_dim3A_97 : i32 to vector<1920x1xi32>
      %swap3A_99 = arith.constant 0 : index
      %swap3A_100 = arith.constant 0 : index
      %swap3A_101 = vector.load %arg11[%swap3A_99, %swap3A_100] : memref<1920x1xi32, #tpu.memory_space<vmem>>, vector<1920x1xi32>
      tpu.vector_store %arg11[%swap3A_99, %swap3A_100], %broadcast_in_dim3A_98 {strides = array<i32>} : memref<1920x1xi32, #tpu.memory_space<vmem>>, vector<1920x1xi32>,
    } else {
    }
    %get3A = arith.constant 0 : index
    %get3A_2 = arith.constant 0 : index
    %get3A_3 = vector.load %arg1[%get3A, %get3A_2] : memref<1920x1024xf32, #tpu.memory_space<vmem>>, vector<1920x1024xf32>
    %get3A_4 = arith.constant 0 : index
    %get3A_5 = arith.constant 0 : index
    %get3A_6 = vector.load %arg2[%get3A_4, %get3A_5] : memref<1024x1280xf32, #tpu.memory_space<vmem>>, vector<1024x1280xf32>
    %dot_general3A = arith.constant dense<0.000000e+00> : vector<1920x1280xf32>
    %dot_general3A_7 = tpu.matmul %get3A_3, %get3A_6, %dot_general3A {dimension_numbers = #tpu.dot_dimension_numbers<[1], [0], [0], [1], [0, 0, 1, 1], [], []>, transpose_lhs_hint = false} : vector<1920x1024xf32>, vector<1024x1280xf32>, vector<1920x1280xf32> -> vector<1920x1280xf32>
    %iota3A = tpu.iota {dimensions = array<i32: 1>} : vector<1920x1280xi32>
    %mul3A = arith.constant 1280 : i32
    %mul3A_8 = arith.muli %arg0, %mul3A : i32
    %add3A = vector.broadcast %mul3A_8 : i32 to vector<1920x1280xi32>
    %add3A_9 = arith.addi %iota3A, %add3A : vector<1920x1280xi32>
    %get3A_10 = arith.constant 0 : index
    %get3A_11 = arith.constant 0 : index
    %get3A_12 = vector.load %arg3[%get3A_10, %get3A_11] : memref<1920x1xi32, #tpu.memory_space<vmem>>, vector<1920x1xi32>
    %reduce_max3A = arith.constant dense<0xFF800000> : vector<1920xf32>
    %reduce_max3A_13 = vector.multi_reduction <maximumf>, %dot_general3A_7, %reduce_max3A [1] : vector<1920x1280xf32> to vector<1920xf32>
    %broadcast_in_dim3A = vector.shape_cast %reduce_max3A_13 : vector<1920xf32> to vector<1920x1xf32>
    %get3A_14 = arith.constant 0 : index
    %get3A_15 = arith.constant 0 : index
    %get3A_16 = vector.load %arg7[%get3A_14, %get3A_15] : memref<1920x1xf32, #tpu.memory_space<vmem>>, vector<1920x1xf32>
    %max3A = arith.maximumf %get3A_16, %broadcast_in_dim3A : vector<1920x1xf32>
    %sub3A = vector.broadcast %max3A : vector<1920x1xf32> to vector<1920x1280xf32>
    %sub3A_17 = arith.subf %dot_general3A_7, %sub3A : vector<1920x1280xf32>
    %exp3A = math.exp %sub3A_17 : vector<1920x1280xf32>
    %reduce_sum3A = arith.constant dense<0.000000e+00> : vector<1920xf32>
    %reduce_sum3A_18 = vector.multi_reduction <add>, %exp3A, %reduce_sum3A [1] : vector<1920x1280xf32> to vector<1920xf32>
    %broadcast_in_dim3A_19 = vector.shape_cast %reduce_sum3A_18 : vector<1920xf32> to vector<1920x1xf32>
    %get3A_20 = arith.constant 0 : index
    %get3A_21 = arith.constant 0 : index
    %get3A_22 = vector.load %arg8[%get3A_20, %get3A_21] : memref<1920x1xf32, #tpu.memory_space<vmem>>, vector<1920x1xf32>
    %get3A_23 = arith.constant 0 : index
    %get3A_24 = arith.constant 0 : index
    %get3A_25 = vector.load %arg7[%get3A_23, %get3A_24] : memref<1920x1xf32, #tpu.memory_space<vmem>>, vector<1920x1xf32>
    %sub3A_26 = arith.subf %get3A_25, %max3A : vector<1920x1xf32>
    %exp3A_27 = math.exp %sub3A_26 : vector<1920x1xf32>
    %mul3A_28 = arith.mulf %get3A_22, %exp3A_27 : vector<1920x1xf32>
    %add3A_29 = arith.addf %mul3A_28, %broadcast_in_dim3A_19 : vector<1920x1xf32>
    %swap3A = arith.constant 0 : index
    %swap3A_30 = arith.constant 0 : index
    %swap3A_31 = vector.load %arg8[%swap3A, %swap3A_30] : memref<1920x1xf32, #tpu.memory_space<vmem>>, vector<1920x1xf32>
    tpu.vector_store %arg8[%swap3A, %swap3A_30], %add3A_29 {strides = array<i32>} : memref<1920x1xf32, #tpu.memory_space<vmem>>, vector<1920x1xf32>,
    %swap3A_32 = arith.constant 0 : index
    %swap3A_33 = arith.constant 0 : index
    %swap3A_34 = vector.load %arg7[%swap3A_32, %swap3A_33] : memref<1920x1xf32, #tpu.memory_space<vmem>>, vector<1920x1xf32>
    tpu.vector_store %arg7[%swap3A_32, %swap3A_33], %max3A {strides = array<i32>} : memref<1920x1xf32, #tpu.memory_space<vmem>>, vector<1920x1xf32>,
    %get3A_35 = arith.constant 0 : index
    %get3A_36 = arith.constant 0 : index
    %get3A_37 = vector.load %arg9[%get3A_35, %get3A_36] : memref<1920x1xf32, #tpu.memory_space<vmem>>, vector<1920x1xf32>
    %eq3A_38 = vector.broadcast %get3A_12 : vector<1920x1xi32> to vector<1920x1280xi32>
    %eq3A_39 = arith.cmpi eq, %add3A_9, %eq3A_38 : vector<1920x1280xi32>
    %jit3A = arith.constant 0.000000e+00 : f32
    %broadcast_in_dim3A_40 = vector.broadcast %jit3A : f32 to vector<1920x1280xf32>
    %select_n3A = arith.select %eq3A_39, %dot_general3A_7, %broadcast_in_dim3A_40 : vector<1920x1280xi1>, vector<1920x1280xf32>
    %reduce_sum3A_41 = arith.constant dense<0.000000e+00> : vector<1920xf32>
    %reduce_sum3A_42 = vector.multi_reduction <add>, %select_n3A, %reduce_sum3A_41 [1] : vector<1920x1280xf32> to vector<1920xf32>
    %broadcast_in_dim3A_43 = vector.shape_cast %reduce_sum3A_42 : vector<1920xf32> to vector<1920x1xf32>
    %add3A_44 = arith.addf %get3A_37, %broadcast_in_dim3A_43 : vector<1920x1xf32>
    %swap3A_45 = arith.constant 0 : index
    %swap3A_46 = arith.constant 0 : index
    %swap3A_47 = vector.load %arg9[%swap3A_45, %swap3A_46] : memref<1920x1xf32, #tpu.memory_space<vmem>>, vector<1920x1xf32>
    tpu.vector_store %arg9[%swap3A_45, %swap3A_46], %add3A_44 {strides = array<i32>} : memref<1920x1xf32, #tpu.memory_space<vmem>>, vector<1920x1xf32>,
    %eq3A_48 = vector.broadcast %broadcast_in_dim3A : vector<1920x1xf32> to vector<1920x1280xf32>
    %eq3A_49 = arith.cmpf oeq, %dot_general3A_7, %eq3A_48 : vector<1920x1280xf32>
    %jit3A_50 = arith.constant 1073741824 : i32
    %broadcast_in_dim3A_51 = vector.broadcast %jit3A_50 : i32 to vector<1920x1280xi32>
    %select_n3A_52 = arith.select %eq3A_49, %add3A_9, %broadcast_in_dim3A_51 : vector<1920x1280xi1>, vector<1920x1280xi32>
    %reduce_min3A = arith.constant dense<2147483647> : vector<1920xi32>
    %reduce_min3A_53 = vector.multi_reduction <minsi>, %select_n3A_52, %reduce_min3A [1] : vector<1920x1280xi32> to vector<1920xi32>
    %broadcast_in_dim3A_54 = vector.shape_cast %reduce_min3A_53 : vector<1920xi32> to vector<1920x1xi32>
    %get3A_55 = arith.constant 0 : index
    %get3A_56 = arith.constant 0 : index
    %get3A_57 = vector.load %arg10[%get3A_55, %get3A_56] : memref<1920x1xf32, #tpu.memory_space<vmem>>, vector<1920x1xf32>
    %gt3A = arith.cmpf ogt, %broadcast_in_dim3A, %get3A_57 : vector<1920x1xf32>
    %get3A_58 = arith.constant 0 : index
    %get3A_59 = arith.constant 0 : index
    %get3A_60 = vector.load %arg11[%get3A_58, %get3A_59] : memref<1920x1xi32, #tpu.memory_space<vmem>>, vector<1920x1xi32>
    %select_n3A_61 = arith.select %gt3A, %broadcast_in_dim3A_54, %get3A_60 : vector<1920x1xi1>, vector<1920x1xi32>
    %swap3A_62 = arith.constant 0 : index
    %swap3A_63 = arith.constant 0 : index
    %swap3A_64 = vector.load %arg11[%swap3A_62, %swap3A_63] : memref<1920x1xi32, #tpu.memory_space<vmem>>, vector<1920x1xi32>
    tpu.vector_store %arg11[%swap3A_62, %swap3A_63], %select_n3A_61 {strides = array<i32>} : memref<1920x1xi32, #tpu.memory_space<vmem>>, vector<1920x1xi32>,
    %get3A_65 = arith.constant 0 : index
    %get3A_66 = arith.constant 0 : index
    %get3A_67 = vector.load %arg10[%get3A_65, %get3A_66] : memref<1920x1xf32, #tpu.memory_space<vmem>>, vector<1920x1xf32>
    %max3A_68 = arith.maximumf %get3A_67, %broadcast_in_dim3A : vector<1920x1xf32>
    %swap3A_69 = arith.constant 0 : index
    %swap3A_70 = arith.constant 0 : index
    %swap3A_71 = vector.load %arg10[%swap3A_69, %swap3A_70] : memref<1920x1xf32, #tpu.memory_space<vmem>>, vector<1920x1xf32>
    tpu.vector_store %arg10[%swap3A_69, %swap3A_70], %max3A_68 {strides = array<i32>} : memref<1920x1xf32, #tpu.memory_space<vmem>>, vector<1920x1xf32>,
    %eq3A_72 = arith.constant 24 : i32
    %eq3A_73 = arith.cmpi eq, %arg0, %eq3A_72 : i32
    %convert_element_type3A_74 = arith.extui %eq3A_73 : i1 to i32
    %cond3A_75 = arith.constant 0 : i32
    %cond3A_76 = arith.cmpi ne, %convert_element_type3A_74, %cond3A_75 : i32
    scf.if %cond3A_76 {
      %get3A_77 = arith.constant 0 : index
      %get3A_78 = arith.constant 0 : index
      %get3A_79 = vector.load %arg4[%get3A_77, %get3A_78] : memref<1920x1xf32, #tpu.memory_space<vmem>>, vector<1920x1xf32>
      %get3A_80 = arith.constant 0 : index
      %get3A_81 = arith.constant 0 : index
      %get3A_82 = vector.load %arg7[%get3A_80, %get3A_81] : memref<1920x1xf32, #tpu.memory_space<vmem>>, vector<1920x1xf32>
      %get3A_83 = arith.constant 0 : index
      %get3A_84 = arith.constant 0 : index
      %get3A_85 = vector.load %arg8[%get3A_83, %get3A_84] : memref<1920x1xf32, #tpu.memory_space<vmem>>, vector<1920x1xf32>
      %log3A = math.log %get3A_85 : vector<1920x1xf32>
      %add3A_86 = arith.addf %get3A_82, %log3A : vector<1920x1xf32>
      %get3A_87 = arith.constant 0 : index
      %get3A_88 = arith.constant 0 : index
      %get3A_89 = vector.load %arg9[%get3A_87, %get3A_88] : memref<1920x1xf32, #tpu.memory_space<vmem>>, vector<1920x1xf32>
      %sub3A_90 = arith.subf %add3A_86, %get3A_89 : vector<1920x1xf32>
      %mul3A_91 = arith.mulf %sub3A_90, %get3A_79 : vector<1920x1xf32>
      %reduce_sum3A_92 = vector.shape_cast %mul3A_91 : vector<1920x1xf32> to vector<1x1920x1xf32>
      %reduce_sum3A_93 = arith.constant dense<0.000000e+00> : vector<1xf32>
      %reduce_sum3A_94 = vector.multi_reduction <add>, %reduce_sum3A_92, %reduce_sum3A_93 [1, 2] : vector<1x1920x1xf32> to vector<1xf32>
      %reduce_sum3A_95 = vector.shape_cast %reduce_sum3A_94 : vector<1xf32> to vector<1x1x1xf32>
      %reduce_sum3A_96 = vector.extract %reduce_sum3A_95[0, 0, 0] : f32 from vector<1x1x1xf32>
      %reduce_sum3A_97 = vector.shape_cast %get3A_79 : vector<1920x1xf32> to vector<1x1920x1xf32>
      %reduce_sum3A_98 = arith.constant dense<0.000000e+00> : vector<1xf32>
      %reduce_sum3A_99 = vector.multi_reduction <add>, %reduce_sum3A_97, %reduce_sum3A_98 [1, 2] : vector<1x1920x1xf32> to vector<1xf32>
      %reduce_sum3A_100 = vector.shape_cast %reduce_sum3A_99 : vector<1xf32> to vector<1x1x1xf32>
      %reduce_sum3A_101 = vector.extract %reduce_sum3A_100[0, 0, 0] : f32 from vector<1x1x1xf32>
      %add3A_102 = arith.constant 9.99999997E-7 : f32
      %add3A_103 = arith.addf %reduce_sum3A_101, %add3A_102 : f32
      %div3A = arith.divf %reduce_sum3A_96, %add3A_103 : f32
      %swap3A_104 = arith.constant 0 : index
      %swap3A_105 = arith.constant 0 : index
      %swap3A_106 = memref.load %arg5[%swap3A_104, %swap3A_105] : memref<1x1xf32, #tpu.memory_space<smem>>
      memref.store %div3A, %arg5[%swap3A_104, %swap3A_105] : memref<1x1xf32, #tpu.memory_space<smem>>
      %gt3A_107 = arith.constant 5.000000e-01 : f32
      %gt3A_108 = vector.broadcast %gt3A_107 : f32 to vector<1920x1xf32>
      %gt3A_109 = arith.cmpf ogt, %get3A_79, %gt3A_108 : vector<1920x1xf32>
      %get3A_110 = arith.constant 0 : index
      %get3A_111 = arith.constant 0 : index
      %get3A_112 = vector.load %arg11[%get3A_110, %get3A_111] : memref<1920x1xi32, #tpu.memory_space<vmem>>, vector<1920x1xi32>
      %eq3A_113 = arith.cmpi eq, %get3A_112, %get3A_12 : vector<1920x1xi32>
      %and3A = arith.andi %gt3A_109, %eq3A_113 : vector<1920x1xi1>
      %jit3A_114 = arith.constant 1.000000e+00 : f32
      %jit3A_115 = arith.constant 0.000000e+00 : f32
      %broadcast_in_dim3A_116 = vector.broadcast %jit3A_114 : f32 to vector<1920x1xf32>
      %broadcast_in_dim3A_117 = vector.broadcast %jit3A_115 : f32 to vector<1920x1xf32>
      %select_n3A_118 = arith.select %and3A, %broadcast_in_dim3A_116, %broadcast_in_dim3A_117 : vector<1920x1xi1>, vector<1920x1xf32>
      %reduce_sum3A_119 = vector.shape_cast %select_n3A_118 : vector<1920x1xf32> to vector<1x1920x1xf32>
      %reduce_sum3A_120 = arith.constant dense<0.000000e+00> : vector<1xf32>
      %reduce_sum3A_121 = vector.multi_reduction <add>, %reduce_sum3A_119, %reduce_sum3A_120 [1, 2] : vector<1x1920x1xf32> to vector<1xf32>
      %reduce_sum3A_122 = vector.shape_cast %reduce_sum3A_121 : vector<1xf32> to vector<1x1x1xf32>
      %reduce_sum3A_123 = vector.extract %reduce_sum3A_122[0, 0, 0] : f32 from vector<1x1x1xf32>
      %jit3A_124 = arith.constant 1.000000e+00 : f32
      %jit3A_125 = arith.constant 0.000000e+00 : f32
      %broadcast_in_dim3A_126 = vector.broadcast %jit3A_124 : f32 to vector<1920x1xf32>
      %broadcast_in_dim3A_127 = vector.broadcast %jit3A_125 : f32 to vector<1920x1xf32>
      %select_n3A_128 = arith.select %gt3A_109, %broadcast_in_dim3A_126, %broadcast_in_dim3A_127 : vector<1920x1xi1>, vector<1920x1xf32>
      %reduce_sum3A_129 = vector.shape_cast %select_n3A_128 : vector<1920x1xf32> to vector<1x1920x1xf32>
      %reduce_sum3A_130 = arith.constant dense<0.000000e+00> : vector<1xf32>
      %reduce_sum3A_131 = vector.multi_reduction <add>, %reduce_sum3A_129, %reduce_sum3A_130 [1, 2] : vector<1x1920x1xf32> to vector<1xf32>
      %reduce_sum3A_132 = vector.shape_cast %reduce_sum3A_131 : vector<1xf32> to vector<1x1x1xf32>
      %reduce_sum3A_133 = vector.extract %reduce_sum3A_132[0, 0, 0] : f32 from vector<1x1x1xf32>
      %max3A_134 = arith.constant 1.000000e+00 : f32
      %max3A_135 = arith.maximumf %reduce_sum3A_133, %max3A_134 : f32
      %div3A_136 = arith.divf %reduce_sum3A_123, %max3A_135 : f32
      %swap3A_137 = arith.constant 0 : index
      %swap3A_138 = arith.constant 0 : index
      %swap3A_139 = memref.load %arg6[%swap3A_137, %swap3A_138] : memref<1x1xf32, #tpu.memory_space<smem>>
      memref.store %div3A_136, %arg6[%swap3A_137, %swap3A_138] : memref<1x1xf32, #tpu.memory_space<smem>>
    } else {
    }
    return
  }
  func.func @transform_0(%arg0: i32) -> (i32, i32) {
    %c0_i32 = arith.constant 0 : i32
    %c0_i32_0 = arith.constant 0 : i32
    %c0_i32_1 = arith.constant 0 : i32
    return %c0_i32, %c0_i32_0 : i32, i32
  }
  func.func @transform_1(%arg0: i32) -> (i32, i32) {
    %c0_i32 = arith.constant 0 : i32
    %c0_i32_0 = arith.constant 0 : i32
    return %c0_i32, %arg0 : i32, i32
  }
  func.func @transform_2(%arg0: i32) -> (i32, i32) {
    %c0_i32 = arith.constant 0 : i32
    %c0_i32_0 = arith.constant 0 : i32
    %c0_i32_1 = arith.constant 0 : i32
    return %c0_i32, %c0_i32_0 : i32, i32
  }
  func.func @transform_3(%arg0: i32) -> (i32, i32) {
    %c0_i32 = arith.constant 0 : i32
    %c0_i32_0 = arith.constant 0 : i32
    %c0_i32_1 = arith.constant 0 : i32
    return %c0_i32, %c0_i32_0 : i32, i32
  }
  func.func @transform_4(%arg0: i32) -> (i32, i32) {
    %c0_i32 = arith.constant 0 : i32
    %c0_i32_0 = arith.constant 0 : i32
    %c0_i32_1 = arith.constant 0 : i32
    return %c0_i32, %c0_i32_0 : i32, i32
  }
  func.func @transform_5(%arg0: i32) -> (i32, i32) {
    %c0_i32 = arith.constant 0 : i32
    %c0_i32_0 = arith.constant 0 : i32
    %c0_i32_1 = arith.constant 0 : i32
    return %c0_i32, %c0_i32_0 : i32, i32
  }
}

</mosaic_0001>

<sc_bundles>
// kernel: kernel.8.cloned.1.call-start
scs
__scs_entry_jumppad:
0x0: {  	(pc) =	sbr.rel $0x88, $3  }
0x1: {  	(tag) =	ssettag $0x0;
	lr =	simm.s32 $0x1  }
0x2: {  	[smem:$0x3F96] =	sst lr;
	_ =	strace $0xD0000000  }
0x3: {  	_ = 	snop  }
0x4: {  	_ = 	snop  }
0x5: {  	_ = 	snop  }
0x6: {  	_ = 	snop  }
0x7: {  	_ = 	snop  }
__scs_overlays_trampoline_lowered:
0x8: {  	[smem:$0x3FA5] =	sst s0  }
0x9: {  	[smem:$0x3FA6] =	sst s1  }
0xa: {  	[smem:$0x3FA7] =	sst s2  }
0xb: {  	[smem:$0x3FA8] =	sst s3  }
0xc: {  	[smem:$0x3FA9] =	sst s4  }
0xd: {  	[smem:$0x3FAA] =	sst s5  }
0xe: {  	[smem:$0x3FAB] =	sst s6  }
0xf: {  	[smem:$0x3FAC] =	sst s7  }
0x10: {  	[smem:$0x3FAD] =	sst s8  }
0x11: {  	[smem:$0x3FAE] =	sst s9;
	s0 =	simm.s32 @!p0 $0x0  }
0x12: {  	s1 =	sld [smem:$0x3F94];
	s0 =	simm.s32 @p0 $0x1  }
0x13: {  	[smem:$0x3FAF] =	sst s0;
	s0 =	simm.s32 @!p1 $0x0  }
0x14: {  	s2 =	sld [smem:$0x3F93];
	s0 =	simm.s32 @p1 $0x1  }
0x15: {  	[smem:$0x3FB0] =	sst s0;
	s0 =	simm.s32 @!p2 $0x0  }
0x16: {  	s3 =	sld [smem:$0x3FDB];
	s0 =	simm.s32 @p2 $0x1  }
0x17: {  	s4 =	simm.s32 $0x1BF5;
	[smem:$0x3FB2] =	sst s0  }
0x18: {  	s0 =	sld [smem:$0x3F95];
	_ =	swait.ge [sflag:s4], $0x0  }
0x19: {  	s7 =	sld [smem:$0x3F96]  }
0x1a: {  	s8 =	sadd.s32 $0xFFFFE003, lr  }
0x1b: {  	s9 =	sadd.s32 $0xFFFFFEF7, lr;
	s5 =	simm.s32 $0xFFFFFFFF;
	p2 =	slt.u32 s8, $0xFFFFF086  }
0x1c: {  	p1 =	slt.u32 s9, $0xF7A;
	s5 =	simm.s32 @!p2 $0x0  }
0x1d: {  	s5 =	simm.s32 @p1 $0x1;
	p0 =	seq.s32 s7, s2  }
0x1e: {  	s7 =	smul.u32 @!p0 $0xF7A, s2;
	p2 =	seq.s32 @!p0 s5, $0x0  }
0x1f: {  	s9 =	smul.u32 $0xF7A, s1;
	s8 =	simm.s32 @!p0 $0x1BF5;
	p2 =	por !p2, p0  }
0x20: {  	[sflag:s8] =	ssyncset.s32 @!p0 $0xFFFFF086;
	s6 =	sadd.s32 @!p0 s3, s7;
	s7 =	simm.s32 @!p0 $0x108  }
0x21: {  	s3 =	sadd.s32 s3, s9;
	s6 =	sadd.s32 @!p0 $0x88, s6;
	s7 =	simm.s32 @p2 $0x1082  }
0x22: {  	[simem:s7], [sflag:s8] =	dma.local @!p0 [hbm:s6], $0xF7A  }
0x23: {  	s9 =	sor.u32 $0xD0000000, s2;
	s6 =	simm.s32 $0x108;
	_ =	swait.ge @!p0 [sflag:s8], $0x0  }
0x24: {  	s3 =	sadd.s32 $0x88, s3;
	s6 =	simm.s32 @!p1 $0x1082;
	[sflag:s4] =	ssyncset.s32 $0xFFFFF086  }
0x25: {  	[simem:s6], [sflag:s4] =	dma.local [hbm:s3], $0xF7A  }
0x26: {  	[smem:$0x3F96] =	sst s1;
	(tag) =	ssettag s2;
	_ =	strace s9  }
0x27: {  	s1 =	sld [smem:$0x3FA6]  }
0x28: {  	s2 =	sld [smem:$0x3FA7]  }
0x29: {  	s4 =	sld [smem:$0x3FA9]  }
0x2a: {  	p0 =	seq.s32 s5, $0x0;
	s5 =	sld [smem:$0x3FAA]  }
0x2b: {  	s6 =	sld [smem:$0x3FAB]  }
0x2c: {  	s7 =	sld [smem:$0x3FAC]  }
0x2d: {  	s3 =	simm.s32 $0x108;
	s8 =	sld [smem:$0x3FAD]  }
0x2e: {  	s3 =	simm.s32 @!p0 $0x1082;
	s9 =	sld [smem:$0x3FAE]  }
0x2f: {  	lr =	sadd.s32 s0, s3;
	s0 =	sld [smem:$0x3FA5]  }
0x30: {  	s3 =	sld [smem:$0x3FA8]  }
0x31: {  	[smem:$0x3FB1] =	sst s10  }
0x32: {  	s10 =	sld [smem:$0x3FAF];
	_ =	sdelay $0x3  }
0x33: {  	p0 =	seq.s32 s10, $0x1;
	s10 =	sld [smem:$0x3FB1];
	_ =	sdelay $0x3  }
0x34: {  	[smem:$0x3FB1] =	sst s10  }
0x35: {  	s10 =	sld [smem:$0x3FB0];
	_ =	sdelay $0x3  }
0x36: {  	p1 =	seq.s32 s10, $0x1;
	s10 =	sld [smem:$0x3FB1];
	_ =	sdelay $0x3  }
0x37: {  	[smem:$0x3FB1] =	sst s10  }
0x38: {  	s10 =	sld [smem:$0x3FB2]  }
0x39: {  	_ = 	snop;
	(pc) =	sbr.ind lr, $3  }
0x3a: {  	_ = 	snop  }
0x3b: {  	_ = 	snop  }
0x3c: {  	p2 =	seq.s32 s10, $0x1;
	s10 =	sld [smem:$0x3FB1]  }
0x3d: {  	_ =	shalt  }
0x3e: {  	_ =	shalt  }
0x3f: {  	_ =	shalt  }
0x40: {  	_ =	shalt  }
0x41: {  	_ =	shalt  }
0x42: {  	_ =	shalt  }
0x43: {  	_ =	shalt  }
0x44: {  	_ =	shalt  }
0x45: {  	_ =	shalt  }
0x46: {  	_ =	shalt  }
0x47: {  	_ =	shalt  }
0x48: {  	_ =	shalt  }
0x49: {  	_ =	shalt  }
0x4a: {  	_ =	shalt  }
0x4b: {  	_ =	shalt  }
0x4c: {  	_ =	shalt  }
0x4d: {  	_ =	shalt  }
0x4e: {  	_ =	shalt  }
0x4f: {  	_ =	shalt  }
0x50: {  	_ =	shalt  }
0x51: {  	_ =	shalt  }
0x52: {  	_ =	shalt  }
0x53: {  	_ =	shalt  }
0x54: {  	_ =	shalt  }
0x55: {  	_ =	shalt  }
0x56: {  	_ =	shalt  }
0x57: {  	_ =	shalt  }
0x58: {  	_ =	shalt  }
0x59: {  	_ =	shalt  }
0x5a: {  	_ =	shalt  }
0x5b: {  	_ =	shalt  }
0x5c: {  	_ =	shalt  }
0x5d: {  	_ =	shalt  }
0x5e: {  	_ =	shalt  }
0x5f: {  	_ =	shalt  }
0x60: {  	_ =	shalt  }
0x61: {  	_ =	shalt  }
0x62: {  	_ =	shalt  }
0x63: {  	_ =	shalt  }
0x64: {  	_ =	shalt  }
0x65: {  	_ =	shalt  }
0x66: {  	_ =	shalt  }
0x67: {  	_ =	shalt  }
0x68: {  	_ =	shalt  }
0x69: {  	_ =	shalt  }
0x6a: {  	_ =	shalt  }
0x6b: {  	_ =	shalt  }
0x6c: {  	_ =	shalt  }
0x6d: {  	_ =	shalt  }
0x6e: {  	_ =	shalt  }
0x6f: {  	_ =	shalt  }
0x70: {  	_ =	shalt  }
0x71: {  	_ =	shalt  }
0x72: {  	_ =	shalt  }
0x73: {  	_ =	shalt  }
0x74: {  	_ =	shalt  }
0x75: {  	_ =	shalt  }
0x76: {  	_ =	shalt  }
0x77: {  	_ =	shalt  }
0x78: {  	_ =	shalt  }
0x79: {  	_ =	shalt  }
0x7a: {  	_ =	shalt  }
0x7b: {  	_ =	shalt  }
0x7c: {  	_ =	shalt  }
0x7d: {  	_ =	shalt  }
0x7e: {  	_ =	shalt  }
0x7f: {  	_ =	shalt  }
0x80: {  	_ =	shalt  }
0x81: {  	_ =	shalt  }
0x82: {  	_ =	shalt  }
0x83: {  	_ =	shalt  }
0x84: {  	_ =	shalt  }
0x85: {  	_ =	shalt  }
0x86: {  	_ =	shalt  }
0x87: {  	_ =	shalt  }
.Lfunc_end0:
.L_simem_size_0:
called_computation_lowered:
.L_overlay_start_0:
0x88: {  	s2 =	sld [smem:$0x3FD9]  }
0x89: {  	s3 =	sld [smem:$0x3FFE];
	_ =	sdelay $0x1  }
0x8a: {  	s1 =	srdreg.scid  }
0x8b: {  	s0 =	sand.u32 $0x1, s1  }
0x8c: {  	s14 =	sshll.u32 s0, $0xA;
	s2 =	sadd.s32 s3, s2  }
0x8d: {  	s2 =	sadd.s32 s2, s14  }
0x8e: {  	[smem:$0x3FBD] =	sst s2  }
0x8f: {  	_ = 	snop  }
0x90: {  	s2 =	sld [smem:$0x3FC9]  }
0x91: {  	s15 =	sld [smem:$0x3FD0]  }
0x92: {  	s4 =	sld [smem:$0x3FC8]  }
0x93: {  	s5 =	sld [smem:$0x3FC7]  }
0x94: {  	s7 =	simm.s32 $0xA;
	s8 =	simm.s32 $0x10;
	s6 =	sld [smem:$0x3FC6]  }
0x95: {  	[smem:s8], [sflag:s7] =	dma.local [hbm:s15], $0x1  }
0x96: {  	_ =	swait.eq [sflag:s7], $0x1  }
0x97: {  	[sflag:s7] =	ssyncset.done $0x0  }
0x98: {  	[sflag:s7] =	ssyncadd.s32 $0xFFFFFFFF  }
0x99: {  	s16 =	sld [smem:$0x11];
	(tm) =	ssettm $0x1  }
0x9a: {  	s17 =	sld [smem:$0x3FFB];
	_ =	sdelay $0x3  }
0x9b: {  	_ =	strace s17  }
0x9c: {  	s7 =	sld [smem:$0x3FFC];
	_ =	sdelay $0x3  }
0x9d: {  	_ =	strace s7  }
0x9e: {  	s7 =	sld [smem:$0x3FFD];
	_ =	sdelay $0x3  }
0x9f: {  	_ =	strace s7  }
0xa0: {  	_ =	strace $0x8FFFFFFF  }
0xa1: {  	s18 =	sld [smem:$0x3FDB];
	_ =	sdelay $0x1  }
0xa2: {  	s19 =	simm.s32 $_scs_section_size  }
0xa3: {  	s9 =	simm.s32 $_size__tile_overlayer_lowered;
	s10 =	simm.s32 $_tile_overlayer_lowered  }
0xa4: {  	s22 =	simm.s32 $0x1BFF;
	s21 =	sshll.u32 s10, $0x1;
	s7 =	sadd.s32 s19, s18  }
0xa5: {  	s11 =	simm.s32 $0x0;
	s20 =	sshll.u32 s9, $0x1;
	s9 =	sadd.s32 s21, s7  }
0xa6: {  	[timem:s11], [sflag:s22] =	dma.local [hbm:s9], s20  }
0xa7: {  	_ =	swait.ge [sflag:s22], s20  }
0xa8: {  	s8 =	ssub.s32 $0x0, s20;
	[sflag:s22] =	ssyncset.done $0x0  }
0xa9: {  	[sflag:s22] =	ssyncadd.s32 s8;
	_ =	sdelay $0x1  }
0xaa: {  	s23 =	simm.s32 $0x1B8B  }
0xab: {  	_ =	swait.ge [sflag:s23], $0x1  }
0xac: {  	[sflag:s23] =	ssyncset.done $0x0  }
0xad: {  	s25 =	simm.s32 $0x1B8E;
	s24 =	sld [smem:$0x3FFE];
	[sflag:s23] =	ssyncadd.s32 $0xFFFFFFFF  }
0xae: {  	s26 =	simm.s32 $execute0_lowered;
	[smem:$0x3FD2] =	sst s25  }
0xaf: {  	s9 =	sshll.u32 s26, $0x1;
	_ =	strace $0x80000046;
	[dreg:$0x1] =	wrdreg $0xFFFFFFFF  }
0xb0: {  	s28 =	simm.s32 $_size_execute0_lowered;
	s7 =	sadd.s32 s7, s9;
	[dreg:$0x0] =	wrdreg $0x0  }
0xb1: {  	s9 =	sshll.u32 s28, $0x1;
	[dreg:$0x2] =	wrdreg s7  }
0xb2: {  	[dreg:$0x3] =	wrdreg s9  }
0xb3: {  	[dreg:$0x4] =	wrdreg $0xC0  }
0xb4: {  	_ =	task [dreg:s11], $0x5FFFF  }
0xb5: {  	[dreg:$0x1] =	wrdreg $0xFFFFFFFF  }
0xb6: {  	[dreg:$0x0] =	wrdreg $0x60  }
0xb7: {  	[dreg:$0x2] =	wrdreg s16  }
0xb8: {  	[dreg:$0x3] =	wrdreg s24  }
0xb9: {  	[dreg:$0x4] =	wrdreg s2  }
0xba: {  	[dreg:$0x5] =	wrdreg s5  }
0xbb: {  	[dreg:$0x6] =	wrdreg s6  }
0xbc: {  	[dreg:$0x7] =	wrdreg s4  }
0xbd: {  	[dreg:$0x8] =	wrdreg $0x9  }
0xbe: {  	_ =	task.clear_ibuf [dreg:s11], $0x9FFFF;
	_ =	strace $0x90000046  }
0xbf: {  	s29 =	simm.s32 $0x9;
	_ =	strace $0x80000048  }
0xc0: {  	_ =	swait.ge [sflag:s29], $0x1  }
0xc1: {  	[sflag:s29] =	ssyncadd.s32 $0xFFFFFFFF  }
0xc2: {  	_ =	strace $0x90000048  }
0xc3: {  	_ =	sfence  }
0xc4: {  	s30 =	sld [smem:$0x0];
	_ =	sdelay $0x2  }
0xc5: {  	s31 =	sshll.u32 s1, $0xD;
	s1 =	sshrl.u32 s1, $0x2  }
0xc6: {  	s3 =	sand.u32 $0x4000, s31;
	s1 =	sadd.s32 s1, s30  }
0xc7: {  	s0 =	sor.u32 s3, s0;
	s1 =	sshll.u32 s1, $0x11  }
0xc8: {  	s0 =	sor.u32 s1, s0  }
0xc9: {  	s0 =	sadd.s32 $0x8F2B, s0  }
0xca: {  	[sflag:s0] =	ssyncadd.remote.s32 $0x1  }
0xcb: {  	_ =	sfence.sel $0xFFFF  }
0xcc: {  	[dreg:$0x0] =	wrdreg $0xFFFFFFFF;
	(pc) =	sbr.abs _section_cstart, $3  }
0xcd: {  	[dreg:$0x1] =	wrdreg $0xFFFFFFFF  }
0xce: {  	_ =	task.clear_ibuf [dreg:s11], $0x2FFFF;
	_ =	strace $0x9FFFFFFF  }
0xcf: {  	(tm) =	ssettm $0x7FFFFFFF  }
tec
execute0_lowered:
.L_overlay_start_1:
0x0: {  	(tag) =	ssettag $0x1  }
0x1: {  	s0 =	rddreg [dreg:$0x0]  }
0x2: {  	s1 =	rddreg [dreg:$0x2]  }
0x3: {  	s24 =	rddreg [dreg:$0x3]  }
0x4: {  	s3 =	rddreg [dreg:$0x4]  }
0x5: {  	s4 =	rddreg [dreg:$0x5]  }
0x6: {  	[dreg:$0x7] =	wrdreg s0  }
0x7: {  	s6 =	srdreg.scid;
	s0 =	rddreg [dreg:$0x1]  }
0x8: {  	s2 =	stileid.u32;
	s5 =	simm.s32 $0x0;
	[dreg:$0x8] =	wrdreg s1  }
0x9: {  	s29 =	simm.s32 $0x80;
	s30 =	simm.s32 $0x6180;
	[dreg:$0x9] =	wrdreg s24  }
0xa: {  	s31 =	simm.s32 $0x6200;
	s1 =	rddreg [dreg:$0x6];
	s6 =	sand.u32 $0x1, s6  }
0xb: {  	s7 =	sshll.u32 s2, $0x1;
	[smem:$0x7FF] =	sst s5;
	s9 =	sadd.s32 $0x300, s4  }
0xc: {  	s18 =	sand.u32 $0xC, s2;
	s12 =	sadd.s32 $0x200, s3;
	s13 =	sadd.s32 $0x300, s3  }
0xd: {  	p0 =	sgt.u32 s2, $0x3;
	_ =	strace $0x80000047;
	[dreg:$0xd] =	wrdreg s29  }
0xe: {  	s14 =	sor.u32 s6, s7;
	s6 =	ssub.s32 $0x2, s6;
	[dreg:$0xf] =	wrdreg s30  }
0xf: {  	p1 =	sne.s32 s18, $0x4;
	[dreg:$0x10] =	wrdreg s31;
	s7 =	sshll.u32 s14, $0xB  }
0x10: {  	s25 =	sshll.u32 s14, $0x3;
	s8 =	sshrl.u32 s6, $0x1;
	s17 =	sshll.u32 s14, $0x6  }
0x11: {  	s19 =	sshll.u32 s14, $0x2;
	s22 =	sshllo.u32 s14, $0x2;
	s10 =	sadd.s32 s7, s0  }
0x12: {  	s15 =	sadd.s32 s25, s0;
	s16 =	ssub.s32 s6, s8;
	s6 =	sadd.s32 $0x100, s4  }
0x13: {  	s7 =	sadd.s32 $0x200, s4;
	s8 =	sshll.u32 s14, $0x4;
	s21 =	sor.u32 $0x1, s19  }
0x14: {  	s26 =	sor.u32 $0x2, s19;
	s10 =	sadd.s32 $0x200, s10;
	s11 =	sadd.s32 $0xFFFFFF80, s8  }
0x15: {  	v4 =	vlaneseq.u32;
	s20 =	sadd.s32 $0x8400, s15;
	s28 =	sadd.s32 $0x8200, s15;
	[dreg:$0xa] =	wrdreg s11  }
0x16: {  	vm0 =	vmmov @!p0 $0xffff;
	vm1 =	vmmov @!p1 $0xffff;
	v0 =	vmov s19;
	s14 =	smax.u32 s16, $0x1;
	s16 =	sshrl.u32 @!p0 s17, $0x2;
	[dreg:$0xb] =	wrdreg s20  }
0x17: {  	v0 =	vbroadcast v0, $0x0;
	v1 =	vmov s21;
	v2 =	vmov s26;
	s15 =	simm.s32 $0x100;
	s17 =	simm.s32 $0x1;
	[dreg:$0xc] =	wrdreg s28  }
0x18: {  	v3 =	vmov s22;
	s11 =	sadd.s32 $0x100, s3;
	[dreg:$0xe] =	wrdreg s16;
	v1 =	vbroadcast v1, $0x0;
	v2 =	vbroadcast v2, $0x0;
	s16 =	simm.s32 $0x1100  }
.LBB2_1:
0x19: {  	s18 =	rddreg [dreg:$0x7]  }
0x1a: {  	[tilespmem:s5], [sflag:$0x1] =	stream.linear.gather [hbm4b:s18+s5], $0x80, $0x38;
	[tilespmem:$0x6280] =	vst v63  }
0x1b: {  	s19 =	rddreg [dreg:$0xd]  }
0x1c: {  	[tilespmem:s19], [sflag:$0x1] =	stream.linear.gather [hbm4b:s0+s5], $0x80, $0x38;
	[tilespmem:$0x6280] =	vst v63  }
0x1d: {  	s26 =	rddreg [dreg:$0x8]  }
0x1e: {  	[tilespmem:s15], [sflag:$0x1] =	stream.linear.gather [hbm4b:s26+s5], $0x1000, $0x38;
	[tilespmem:$0x6280] =	vst v63  }
0x1f: {  	s28 =	rddreg [dreg:$0x9]  }
0x20: {  	[tilespmem:s16], [sflag:$0x1] =	stream.linear.gather [hbm4b:s28+s5], $0x1000, $0x38;
	[tilespmem:$0x6280] =	vst v63  }
0x21: {  	_ =	swait.ge [sflag:s17], $0x80  }
0x22: {  	[sflag:s17] =	ssyncset.done $0x0  }
0x23: {  	[sflag:s17] =	ssyncadd.s32 $0xFFFFFF80  }
0x24: {  	_ =	swait.ge [sflag:s17], $0x80  }
0x25: {  	[sflag:s17] =	ssyncset.done $0x0  }
0x26: {  	[sflag:s17] =	ssyncadd.s32 $0xFFFFFF80  }
0x27: {  	_ =	swait.ge [sflag:s17], $0x1000  }
0x28: {  	[sflag:s17] =	ssyncset.done $0x0  }
0x29: {  	[sflag:s17] =	ssyncadd.s32 $0xFFFFF000  }
0x2a: {  	_ =	swait.ge [sflag:s17], $0x1000  }
0x2b: {  	[sflag:s17] =	ssyncset.done $0x0  }
0x2c: {  	s18 =	rddreg [dreg:$0xe];
	[sflag:s17] =	ssyncadd.s32 $0xFFFFF000  }
0x2d: {  	v5 =	vld @!p0 [tilespmem:s18+$0x0];
	_ =	sdelay $0x4  }
0x2e: {  	v5 =	vadd.s32 @!p0 $0xFFFFFFFF, v5  }
0x2f: {  	vm2 =	vgt.s32 @!p0 v5, $0x0  }
0x30: {  	v5 =	vnsel @!p0 vm2, $0x0, v5  }
0x31: {  	v6 =	vshll.u32 @!p0 v5, $0x3  }
0x32: {  	v8 =	vlaneseq.u32 @!p0;
	v7 =	vand.u32 @!p0 $0x7, v5;
	v6 =	vand.u32 @!p0 $0xFFFFFFC0, v6  }
0x33: {  	v9 =	vshrl.u32 @!p0 v8, $0x3;
	v6 =	vor.u32 @!p0 v7, v6;
	v7 =	vand.u32 @!p0 $0x7, v8  }
0x34: {  	v9 =	vmul.u32 @!p0 $0x8, v9;
	v7 =	vperm.xlane @!p0 v6, v7;
	_ =	sdelay $0x1  }
0x35: {  	v7 =	vadd.s32 @!p0 v9, v7;
	_ =	sdelay $0x3  }
0x36: {  	s19 =	simm.s32 @!p0 $0x2180;
	s18 =	simm.s32 @!p0 $0x0;
	[tilespmem:$0x2100] =	vst @!p0 v5  }
0x37: {  	v5 =	vor.u32 @!p0 $0x8, v8;
	[tilespmem:s19], [sflag:$0x2] =	stream.indirect_vreg.gather @!p0 [hbm4b:s4+s18], $0x80, v7, vm0, $0xb8;
	[tilespmem:$0x6280] =	vst v63  }
0x38: {  	s20 =	simm.s32 @!p0 $0x2980;
	v5 =	vperm.xlane @!p0 v6, v5  }
0x39: {  	[tilespmem:s20], [sflag:$0x2] =	stream.indirect_vreg.gather @!p0 [hbm4b:s6+s18], $0x80, v7, vm0, $0xb8;
	[tilespmem:$0x6280] =	vst v63  }
0x3a: {  	v5 =	vadd.s32 @!p0 v9, v5;
	s20 =	simm.s32 @!p0 $0x3180  }
0x3b: {  	[tilespmem:s20], [sflag:$0x2] =	stream.indirect_vreg.gather @!p0 [hbm4b:s7+s18], $0x80, v7, vm0, $0xb8;
	[tilespmem:$0x6280] =	vst v63  }
0x3c: {  	s20 =	simm.s32 @!p0 $0x3980  }
0x3d: {  	[tilespmem:s20], [sflag:$0x2] =	stream.indirect_vreg.gather @!p0 [hbm4b:s9+s18], $0x80, v7, vm0, $0xb8;
	[tilespmem:$0x6280] =	vst v63  }
0x3e: {  	s20 =	simm.s32 @!p0 $0x4180  }
0x3f: {  	[tilespmem:s20], [sflag:$0x2] =	stream.indirect_vreg.gather @!p0 [hbm4b:s4+s18], $0x80, v5, vm0, $0xb8;
	[tilespmem:$0x6280] =	vst v63  }
0x40: {  	s20 =	simm.s32 @!p0 $0x4980  }
0x41: {  	[tilespmem:s20], [sflag:$0x2] =	stream.indirect_vreg.gather @!p0 [hbm4b:s6+s18], $0x80, v5, vm0, $0xb8;
	[tilespmem:$0x6280] =	vst v63  }
0x42: {  	s20 =	simm.s32 @!p0 $0x5180  }
0x43: {  	[tilespmem:s20], [sflag:$0x2] =	stream.indirect_vreg.gather @!p0 [hbm4b:s7+s18], $0x80, v5, vm0, $0xb8;
	[tilespmem:$0x6280] =	vst v63  }
0x44: {  	s20 =	simm.s32 @!p0 $0x5980  }
0x45: {  	[tilespmem:s20], [sflag:$0x2] =	stream.indirect_vreg.gather @!p0 [hbm4b:s9+s18], $0x80, v5, vm0, $0xb8;
	[tilespmem:$0x6280] =	vst v63  }
0x46: {  	s20 =	simm.s32 @!p0 $0x2  }
0x47: {  	_ =	swait.ge @!p0 [sflag:s20], $0x4000  }
0x48: {  	[sflag:s20] =	ssyncset.done @!p0 $0x0  }
0x49: {  	[sflag:s20] =	ssyncadd.s32 @!p0 $0xFFFFC000  }
0x4a: {  	[hbm4b:s10+s18] =	stream.linear.scatter @!p0 [tilespmem:s19], [sflag:$0x3], $0x4000, $0x38;
	[tilespmem:$0x6280] =	vst v63  }
0x4b: {  	s18 =	simm.s32 @!p0 $0x3  }
0x4c: {  	_ =	swait.ge @!p0 [sflag:s18], $0x4000  }
0x4d: {  	[sflag:s18] =	ssyncset.done @!p0 $0x0  }
0x4e: {  	[sflag:s18] =	ssyncadd.s32 @!p0 $0xFFFFC000  }
0x4f: {  	v5 =	vld @!p1 [tilespmem:s8+$0xFFFFFF80];
	_ =	sdelay $0x4  }
0x50: {  	vm2 =	vgt.s32 @!p1 v5, $0x0  }
0x51: {  	v5 =	vnsel @!p1 vm2, $0x0, v5  }
0x52: {  	v5 =	vmin.u32 @!p1 v5, $0xFFF;
	_ =	sdelay $0x2  }
0x53: {  	s18 =	rddreg [dreg:$0xa]  }
0x54: {  	v6 =	vld @!p1 [tilespmem:s18+$0x80];
	s18 =	simm.s32 @!p1 $0x100  }
0x55: {  	v5 =	vld.idx.msk @!p1 [tilespmem:v5+s18+$0x0], $0xffff;
	_ =	sdelay $0x3  }
0x56: {  	vm2 =	vgt.s32 @!p1 v6, $0x0  }
0x57: {  	v5 =	vnsel @!p1 vm2, $0x0, v5  }
0x58: {  	v6 =	vshll.u32 @!p1 v5, $0x3  }
0x59: {  	v8 =	vlaneseq.u32 @!p1;
	v7 =	vand.u32 @!p1 $0x7, v5;
	v6 =	vand.u32 @!p1 $0xFFFFFFC0, v6  }
0x5a: {  	v9 =	vshrl.u32 @!p1 v8, $0x3;
	v6 =	vor.u32 @!p1 v7, v6;
	v7 =	vand.u32 @!p1 $0x7, v8  }
0x5b: {  	v9 =	vmul.u32 @!p1 $0x8, v9;
	v7 =	vperm.xlane @!p1 v6, v7;
	_ =	sdelay $0x1  }
0x5c: {  	v7 =	vadd.s32 @!p1 v9, v7;
	_ =	sdelay $0x3  }
0x5d: {  	s19 =	simm.s32 @!p1 $0x2180;
	s18 =	simm.s32 @!p1 $0x0;
	[tilespmem:$0x2100] =	vst @!p1 v5  }
0x5e: {  	v5 =	vor.u32 @!p1 $0x8, v8;
	[tilespmem:s19], [sflag:$0x2] =	stream.indirect_vreg.gather @!p1 [hbm4b:s3+s18], $0x80, v7, vm1, $0xb8;
	[tilespmem:$0x6280] =	vst v63  }
0x5f: {  	s20 =	simm.s32 @!p1 $0x2980;
	v5 =	vperm.xlane @!p1 v6, v5  }
0x60: {  	[tilespmem:s20], [sflag:$0x2] =	stream.indirect_vreg.gather @!p1 [hbm4b:s11+s18], $0x80, v7, vm1, $0xb8;
	[tilespmem:$0x6280] =	vst v63  }
0x61: {  	v5 =	vadd.s32 @!p1 v9, v5;
	s20 =	simm.s32 @!p1 $0x3180  }
0x62: {  	[tilespmem:s20], [sflag:$0x2] =	stream.indirect_vreg.gather @!p1 [hbm4b:s12+s18], $0x80, v7, vm1, $0xb8;
	[tilespmem:$0x6280] =	vst v63  }
0x63: {  	s20 =	simm.s32 @!p1 $0x3980  }
0x64: {  	[tilespmem:s20], [sflag:$0x2] =	stream.indirect_vreg.gather @!p1 [hbm4b:s13+s18], $0x80, v7, vm1, $0xb8;
	[tilespmem:$0x6280] =	vst v63  }
0x65: {  	s20 =	simm.s32 @!p1 $0x4180  }
0x66: {  	[tilespmem:s20], [sflag:$0x2] =	stream.indirect_vreg.gather @!p1 [hbm4b:s3+s18], $0x80, v5, vm1, $0xb8;
	[tilespmem:$0x6280] =	vst v63  }
0x67: {  	s20 =	simm.s32 @!p1 $0x4980  }
0x68: {  	[tilespmem:s20], [sflag:$0x2] =	stream.indirect_vreg.gather @!p1 [hbm4b:s11+s18], $0x80, v5, vm1, $0xb8;
	[tilespmem:$0x6280] =	vst v63  }
0x69: {  	s20 =	simm.s32 @!p1 $0x5180  }
0x6a: {  	[tilespmem:s20], [sflag:$0x2] =	stream.indirect_vreg.gather @!p1 [hbm4b:s12+s18], $0x80, v5, vm1, $0xb8;
	[tilespmem:$0x6280] =	vst v63  }
0x6b: {  	s20 =	simm.s32 @!p1 $0x5980  }
0x6c: {  	[tilespmem:s20], [sflag:$0x2] =	stream.indirect_vreg.gather @!p1 [hbm4b:s13+s18], $0x80, v5, vm1, $0xb8;
	[tilespmem:$0x6280] =	vst v63  }
0x6d: {  	s20 =	simm.s32 @!p1 $0x2  }
0x6e: {  	_ =	swait.ge @!p1 [sflag:s20], $0x4000  }
0x6f: {  	[sflag:s20] =	ssyncset.done @!p1 $0x0  }
0x70: {  	[sflag:s20] =	ssyncadd.s32 @!p1 $0xFFFFC000  }
0x71: {  	[hbm4b:s10+s18] =	stream.linear.scatter @!p1 [tilespmem:s19], [sflag:$0x3], $0x4000, $0x38;
	[tilespmem:$0x6280] =	vst v63  }
0x72: {  	s18 =	simm.s32 @!p1 $0x3  }
0x73: {  	_ =	swait.ge @!p1 [sflag:s18], $0x4000  }
0x74: {  	[sflag:s18] =	ssyncset.done @!p1 $0x0  }
0x75: {  	[sflag:s18] =	ssyncadd.s32 @!p1 $0xFFFFC000  }
0x76: {  	v5 =	vld.idx.msk [tilespmem:v0+s5+$0x0], $0xffff;
	_ =	sdelay $0x4  }
0x77: {  	v5 =	vadd.s32 v4, v5  }
0x78: {  	vm2 =	vgt.s32 v5, $0x0  }
0x79: {  	v5 =	vnsel vm2, $0x0, v5  }
0x7a: {  	v5 =	vmin.u32 v5, $0xFFF;
	_ =	sdelay $0x4  }
0x7b: {  	v6 =	vld.idx.msk [tilespmem:v5+s15+$0x0], $0xffff;
	_ =	sdelay $0x4  }
0x7c: {  	[tilespmem:$0x6180] =	vst v6  }
0x7d: {  	v5 =	vld.idx.msk [tilespmem:v5+s16+$0x0], $0xffff;
	_ =	sdelay $0x4  }
0x7e: {  	[tilespmem:$0x6200] =	vst v5  }
0x7f: {  	v5 =	vld.idx.msk [tilespmem:v1+s5+$0x0], $0xffff;
	_ =	sdelay $0x4  }
0x80: {  	v5 =	vadd.s32 v4, v5  }
0x81: {  	vm2 =	vgt.s32 v5, $0x0  }
0x82: {  	v5 =	vnsel vm2, $0x0, v5  }
0x83: {  	v5 =	vmin.u32 v5, $0xFFF;
	_ =	sdelay $0x4  }
0x84: {  	v6 =	vld.idx.msk [tilespmem:v5+s15+$0x0], $0xffff;
	_ =	sdelay $0x4  }
0x85: {  	[tilespmem:$0x6190] =	vst v6  }
0x86: {  	v5 =	vld.idx.msk [tilespmem:v5+s16+$0x0], $0xffff;
	_ =	sdelay $0x4  }
0x87: {  	[tilespmem:$0x6210] =	vst v5  }
0x88: {  	v5 =	vld.idx.msk [tilespmem:v2+s5+$0x0], $0xffff;
	_ =	sdelay $0x4  }
0x89: {  	v5 =	vadd.s32 v4, v5  }
0x8a: {  	vm2 =	vgt.s32 v5, $0x0  }
0x8b: {  	v5 =	vnsel vm2, $0x0, v5  }
0x8c: {  	v5 =	vmin.u32 v5, $0xFFF;
	_ =	sdelay $0x4  }
0x8d: {  	v6 =	vld.idx.msk [tilespmem:v5+s15+$0x0], $0xffff;
	_ =	sdelay $0x4  }
0x8e: {  	[tilespmem:$0x61A0] =	vst v6  }
0x8f: {  	v5 =	vld.idx.msk [tilespmem:v5+s16+$0x0], $0xffff;
	_ =	sdelay $0x4  }
0x90: {  	[tilespmem:$0x6220] =	vst v5  }
0x91: {  	v5 =	vld.idx.msk [tilespmem:v3+s5+$0x0], $0xffff;
	_ =	sdelay $0x4  }
0x92: {  	v5 =	vadd.s32 v4, v5  }
0x93: {  	vm2 =	vgt.s32 v5, $0x0  }
0x94: {  	v5 =	vnsel vm2, $0x0, v5  }
0x95: {  	v5 =	vmin.u32 v5, $0xFFF;
	_ =	sdelay $0x4  }
0x96: {  	v6 =	vld.idx.msk [tilespmem:v5+s15+$0x0], $0xffff;
	_ =	sdelay $0x4  }
0x97: {  	[tilespmem:$0x61B0] =	vst v6  }
0x98: {  	v5 =	vld.idx.msk [tilespmem:v5+s16+$0x0], $0xffff;
	_ =	sdelay $0x2  }
0x99: {  	s29 =	rddreg [dreg:$0xb]  }
0x9a: {  	s30 =	rddreg [dreg:$0xf]  }
0x9b: {  	s31 =	rddreg [dreg:$0xc];
	[tilespmem:$0x6230] =	vst v5  }
0x9c: {  	[hbm4b:s29+s5] =	stream.linear.scatter [tilespmem:s30], [sflag:$0x1], $0x40, $0x38;
	[tilespmem:$0x6280] =	vst v63  }
0x9d: {  	s14 =	sadd.s32 $0xFFFFFFFF, s14;
	s21 =	rddreg [dreg:$0x10]  }
0x9e: {  	[hbm4b:s31+s5] =	stream.linear.scatter [tilespmem:s21], [sflag:$0x1], $0x40, $0x38;
	[tilespmem:$0x6280] =	vst v63  }
0x9f: {  	p2 =	sne.s32 s14, $0x0;
	_ =	swait.ge [sflag:s17], $0x40  }
.Ltmp0:
0xa0: {  	[sflag:s17] =	ssyncset.done $0x0;
	(pc) =	sbr.rel @p2 .LBB2_1-.Ltmp0, $4  }
0xa1: {  	[sflag:s17] =	ssyncadd.s32 $0xFFFFFFC0  }
0xa2: {  	_ =	swait.ge [sflag:s17], $0x40  }
0xa3: {  	[sflag:s17] =	ssyncset.done $0x0  }
0xa4: {  	[sflag:s17] =	ssyncadd.s32 $0xFFFFFFC0  }
0xa5: {  	_ =	sfence.sel $0x180000  }
0xa6: {  	[bflag:$0x0] =	sbarrier.arrive $0xFFFF  }
0xa7: {  	p0 =	sne.s32 s2, $0x0;
	_ =	strace $0x90000047  }
0xa8: {  	s0 =	sadd.s32 @!p0 $0x100000, s1;
	[bflag:$0x2] =	sbarrier.arrive $0xFFFF  }
0xa9: {  	[sflag:s0] =	ssyncadd.tile.s32 @!p0 $0x1;
	_ =	shalt  }
.Lfunc_end2:
_tile_overlayer_lowered:
.L_overlay_start_2:
0xaa: {  	(tag) =	ssettag $0x2  }
0xab: {  	s0 =	rddreg [dreg:$0x0];
	s2 =	stileid.u32  }
0xac: {  	s1 =	rddreg [dreg:$0x1];
	p0 =	sne.s32 s2, $0x0  }
0xad: {  	s3 =	rddreg [dreg:$0x2];
	[bflag:$0x3] =	sbarrier.arrive $0xFFFF;
	s2 =	simm.s32 @!p0 $0x1C03  }
0xae: {  	[timem:s3], [sflag:s2] =	dma.local @!p0 [hbm:s0], s1  }
0xaf: {  	s0 =	simm.s32 @!p0 $0x3  }
0xb0: {  	_ =	swait.ge @!p0 [sflag:s0], s1  }
0xb1: {  	s1 =	ssub.s32 @!p0 $0x0, s1;
	[sflag:s0] =	ssyncset.done @!p0 $0x0  }
0xb2: {  	[sflag:s0] =	ssyncadd.s32 @!p0 s1  }
0xb3: {  	[bflag:$0x3] =	sbarrier.arrive $0xFFFF  }
0xb4: {  	_ =	shalt  }

</sc_bundles>
